<compile_context>
chip_gen: v7x
topology: tpu7x:2x2x1
jax: 0.10.2.dev20260603
libtpu: 0.0.44.dev20260713+nightly
codegen_flags: <defaults>
</compile_context>

<pallas_src>
import functools

import jax
import jax.numpy as jnp
from jax import lax
from jax.experimental import pallas as pl
from jax.experimental.pallas import tpu as pltpu
from jax.experimental.pallas import tpu_sc as plsc

N = 65536
N_SAMPLES = 4096
NS = 16
L = 16
PER_TILE = N // NS
INT_MAX = 2**31 - 1


def _fps_sc(xs, ys, zs):
    mesh = plsc.VectorSubcoreMesh(core_axis_name="c", subcore_axis_name="s")

    @functools.partial(
        pl.kernel,
        out_type=jax.ShapeDtypeStruct((N_SAMPLES,), jnp.int32),
        mesh=mesh,
        compiler_params=pltpu.CompilerParams(needs_layout_passes=False),
        scratch_types=[
            pltpu.VMEM((PER_TILE,), jnp.float32),
            pltpu.VMEM((PER_TILE,), jnp.float32),
            pltpu.VMEM((PER_TILE,), jnp.float32),
            pltpu.VMEM((PER_TILE,), jnp.float32),
            pltpu.VMEM((N_SAMPLES,), jnp.int32),
            pltpu.VMEM((L,), jnp.int32),
            pltpu.VMEM((NS * L,), jnp.int32),
            pltpu.VMEM((L,), jnp.int32),
            pltpu.VMEM_SHARED((NS * L,), jnp.int32),
            pltpu.VMEM_SHARED((L,), jnp.int32),
        ],
    )
    def k(xs_hbm, ys_hbm, zs_hbm, out_hbm,
          x_v, y_v, z_v, dist_v, out_v, rec_v, allrec_v, res_v,
          shared_recs, shared_res):
        cid = lax.axis_index("c")
        sid = lax.axis_index("s")
        iota = lax.iota(jnp.int32, L)
        lane0 = iota == 0

        @pl.when(cid == 0)
        def _core0():
            base = sid * PER_TILE
            sl_t = pl.ds(base, PER_TILE)
            pltpu.sync_copy(xs_hbm.at[sl_t], x_v)
            pltpu.sync_copy(ys_hbm.at[sl_t], y_v)
            pltpu.sync_copy(zs_hbm.at[sl_t], z_v)

            @plsc.parallel_loop(0, PER_TILE, L, unroll=8)
            def _init(off):
                dist_v[pl.ds(off, L)] = jnp.full((L,), jnp.inf, jnp.float32)

            def coord_bits(ref, loc):
                return lax.bitcast_convert_type(
                    plsc.load_gather(ref, [loc]), jnp.int32)

            def make_rec(ref, val_bits, idx, loc):
                ref[...] = jnp.where(iota == 0, val_bits,
                           jnp.where(iota == 1, idx, jnp.int32(0)))
                plsc.store_scatter(ref, [iota], coord_bits(x_v, loc),
                                   mask=iota == 2)
                plsc.store_scatter(ref, [iota], coord_bits(y_v, loc),
                                   mask=iota == 3)
                plsc.store_scatter(ref, [iota], coord_bits(z_v, loc),
                                   mask=iota == 4)

            @pl.when(sid == 0)
            def _prologue():
                x16 = lax.bitcast_convert_type(x_v[pl.ds(0, L)], jnp.int32)
                y16 = lax.bitcast_convert_type(y_v[pl.ds(0, L)], jnp.int32)
                z16 = lax.bitcast_convert_type(z_v[pl.ds(0, L)], jnp.int32)
                xb = jnp.sum(jnp.where(lane0, x16, 0))
                yb = jnp.sum(jnp.where(lane0, y16, 0))
                zb = jnp.sum(jnp.where(lane0, z16, 0))
                res_v[...] = jnp.where(iota == 0, jnp.int32(0),
                             jnp.where(iota == 1, jnp.int32(0),
                             jnp.where(iota == 2, xb,
                             jnp.where(iota == 3, yb,
                             jnp.where(iota == 4, zb, jnp.int32(0))))))
                pltpu.sync_copy(res_v, shared_res)

            plsc.subcore_barrier()

            def outer(i, _):
                pltpu.sync_copy(shared_res, res_v)
                cur_vec = plsc.load_gather(res_v, [jnp.full((L,), 1, jnp.int32)])
                cxv = lax.bitcast_convert_type(
                    plsc.load_gather(res_v, [jnp.full((L,), 2, jnp.int32)]),
                    jnp.float32)
                cyv = lax.bitcast_convert_type(
                    plsc.load_gather(res_v, [jnp.full((L,), 3, jnp.int32)]),
                    jnp.float32)
                czv = lax.bitcast_convert_type(
                    plsc.load_gather(res_v, [jnp.full((L,), 4, jnp.int32)]),
                    jnp.float32)

                @pl.when(sid == 0)
                def _store_idx():
                    plsc.store_scatter(out_v, [jnp.full((L,), i, jnp.int32)],
                                       cur_vec, mask=lane0)

                base_idx = sid * PER_TILE
                zi = jnp.zeros((L,), jnp.int32)
                neg1 = jnp.full((L,), -1.0, jnp.float32)

                def upd(tr, off):
                    bv, bi = tr
                    sl = pl.ds(off, L)
                    dx = x_v[sl] - cxv
                    dy = y_v[sl] - cyv
                    dz = z_v[sl] - czv
                    d = dx * dx + dy * dy
                    d = d + dz * dz
                    nd = jnp.minimum(dist_v[sl], d)
                    dist_v[sl] = nd
                    iv = iota + (base_idx + off)
                    cmp = nd > bv
                    return jnp.where(cmp, nd, bv), jnp.where(cmp, iv, bi)

                @plsc.parallel_loop(
                    0, PER_TILE, 2 * L, unroll=8,
                    carry=((neg1, zi), (neg1, zi)))
                def block(off, carry):
                    ta, tb = carry
                    return upd(ta, off), upd(tb, off + L)

                ta, tb = block
                take_a = (ta[0] > tb[0]) | ((ta[0] == tb[0]) & (ta[1] < tb[1]))
                bv = jnp.where(take_a, ta[0], tb[0])
                bi = jnp.where(take_a, ta[1], tb[1])

                m = jnp.max(bv)
                cand = jnp.where(bv == m, bi, INT_MAX)
                li = jnp.min(cand)
                wmask = cand == li
                vb = jnp.sum(jnp.where(
                    wmask, lax.bitcast_convert_type(bv, jnp.int32), 0))
                loc = jnp.broadcast_to(li, (L,)) - base_idx
                make_rec(rec_v, vb, li, loc)
                pltpu.sync_copy(rec_v, shared_recs.at[pl.ds(sid * L, L)])

                plsc.subcore_barrier()

                @pl.when(sid == 0)
                def _reduce():
                    pltpu.sync_copy(shared_recs, allrec_v)
                    vals = plsc.load_gather(allrec_v, [iota * L])
                    mm = jnp.max(vals)
                    tc = jnp.where(vals == mm, iota, INT_MAX)
                    t = jnp.min(tc)
                    res_v[...] = allrec_v[pl.ds(t * L, L)]
                    pltpu.sync_copy(res_v, shared_res)

                plsc.subcore_barrier()
                return 0

            lax.fori_loop(0, N_SAMPLES, outer, 0)

            @pl.when(sid == 0)
            def _epilogue():
                pltpu.sync_copy(out_v, out_hbm)

    return k(xs, ys, zs)


def kernel(pos):
    xs = jnp.asarray(pos[:, 0])
    ys = jnp.asarray(pos[:, 1])
    zs = jnp.asarray(pos[:, 2])
    return _fps_sc(xs, ys, zs)

# --- scband reference (transcript-rebuilt; emitter-appended) ---
"""Pipeline reference for scband-fpsampler-70007966925224 (READ-ONLY COPY).

The authoritative reference and input builder live on the scoring server;
editing this copy changes nothing except your own understanding.
"""

import jax, jax.numpy as jnp
import numpy as np
from functools import partial

RATIO = 0.0625
N_POINTS = 65536

def setup_inputs(seed: int = 0):
    key = jax.random.key(seed)
    pos = jax.random.normal(key, (N_POINTS, 3), dtype=jnp.float32)
    return {"pos": pos}

@partial(jax.jit, static_argnums=(1,))
def _fps(pos, n_samples):
    # Farthest point sampling (equivalent of torch_geometric.nn.fps with
    # random_start=False, i.e. deterministic start at index 0, batch=None).
    N = pos.shape[0]
    start = jnp.int32(0)
    dists = jnp.full((N,), jnp.inf, dtype=jnp.float32)
    idxs = jnp.zeros((n_samples,), dtype=jnp.int32)

    def body(i, carry):
        idxs, dists, cur = carry
        idxs = idxs.at[i].set(cur)
        cur_pt = jnp.take(pos, cur, axis=0)
        d = jnp.sum((pos - cur_pt[None, :]) ** 2, axis=-1)
        dists = jnp.minimum(dists, d)
        nxt = jnp.argmax(dists).astype(jnp.int32)
        return (idxs, dists, nxt)

    idxs, _, _ = jax.lax.fori_loop(0, n_samples, body, (idxs, dists, start))
    return idxs

def reference(pos):
    # ratio != 1 path of FPSampler.forward: return sampled indices
    n_samples = int(round(pos.shape[0] * RATIO))
    return _fps(pos, n_samples)

if __name__ == "__main__":
    import jax
    _d = setup_inputs()
    print(jax.jit(kernel)(*tuple(_d.values())))

</pallas_src>

<mosaic_0001>
#map = affine_map<(d0, d1) -> (0)>
module attributes {stable_mosaic.version = 14 : i64} {
  func.func @k(%arg0: i32, %arg1: i32, %arg2: memref<65536xf32, #tpu.memory_space<hbm>>, %arg3: memref<65536xf32, #tpu.memory_space<hbm>>, %arg4: memref<65536xf32, #tpu.memory_space<hbm>>, %arg5: memref<4096xi32, #tpu.memory_space<hbm>>, %arg6: memref<4096xf32, #tpu.memory_space<vmem>>, %arg7: memref<4096xf32, #tpu.memory_space<vmem>>, %arg8: memref<4096xf32, #tpu.memory_space<vmem>>, %arg9: memref<4096xf32, #tpu.memory_space<vmem>>, %arg10: memref<4096xi32, #tpu.memory_space<vmem>>, %arg11: memref<16xi32, #tpu.memory_space<vmem>>, %arg12: memref<256xi32, #tpu.memory_space<vmem>>, %arg13: memref<16xi32, #tpu.memory_space<vmem>>, %arg14: memref<256xi32, #tpu.memory_space<vmem_shared>>, %arg15: memref<16xi32, #tpu.memory_space<vmem_shared>>) attributes {dimension_semantics = [#tpu.dimension_semantics<core_parallel>, #tpu.dimension_semantics<subcore_parallel>], iteration_bounds = array<i64: 2, 16>, scalar_prefetch = 0 : i64, scratch_operands = 10 : i64, tpu.core_type = #tpu.core_type<sc_vector_subcore>, window_params = [{transform_indices = #map}, {transform_indices = #map}, {transform_indices = #map}, {transform_indices = #map}]} {
    %iota3A = tpu.iota {dimensions = array<i32: 0>} : vector<16xi32>
    %eq3A = arith.constant 0 : i32
    %eq3A_0 = vector.broadcast %eq3A : i32 to vector<16xi32>
    %eq3A_1 = arith.cmpi eq, %iota3A, %eq3A_0 : vector<16xi32>
    %eq3A_2 = arith.constant 0 : i32
    %eq3A_3 = arith.cmpi eq, %arg0, %eq3A_2 : i32
    %convert_element_type3A = arith.extui %eq3A_3 : i1 to i32
    %cond3A = arith.constant 0 : i32
    %cond3A_4 = arith.cmpi ne, %convert_element_type3A, %cond3A : i32
    scf.if %cond3A_4 {
      %mul3A = arith.constant 4096 : i32
      %mul3A_5 = arith.muli %arg1, %mul3A : i32
      "tpu.region"() ({
        %run_scoped3A = tpu.sem_alloc : memref<!tpu.dma_semaphore, #tpu.memory_space<semaphore_mem>>
        %dma_start3A = tpu.memref_slice %arg2[%mul3A_5] : memref<65536xf32, #tpu.memory_space<hbm>> -> memref<4096xf32, #tpu.memory_space<hbm>>
        %dma_start3A_24 = tpu.memref_slice %arg2[%mul3A_5] : memref<65536xf32, #tpu.memory_space<hbm>> -> memref<4096xf32, #tpu.memory_space<hbm>>
        tpu.enqueue_dma source(%dma_start3A_24 : memref<4096xf32, #tpu.memory_space<hbm>>) target(%arg6 : memref<4096xf32, #tpu.memory_space<vmem>>) target_semaphore(%run_scoped3A : memref<!tpu.dma_semaphore, #tpu.memory_space<semaphore_mem>>)
        %dma_wait3A = tpu.memref_slice %arg2[%mul3A_5] : memref<65536xf32, #tpu.memory_space<hbm>> -> memref<4096xf32, #tpu.memory_space<hbm>>
        %dma_wait3A_25 = tpu.memref_slice %arg2[%mul3A_5] : memref<65536xf32, #tpu.memory_space<hbm>> -> memref<4096xf32, #tpu.memory_space<hbm>>
        tpu.wait_dma2 semaphore(%run_scoped3A : memref<!tpu.dma_semaphore, #tpu.memory_space<semaphore_mem>>) src(%dma_wait3A_25 : memref<4096xf32, #tpu.memory_space<hbm>>) dst(%arg6 : memref<4096xf32, #tpu.memory_space<vmem>>)
        tpu.yield
      }) : () -> ()
      "tpu.region"() ({
        %run_scoped3A = tpu.sem_alloc : memref<!tpu.dma_semaphore, #tpu.memory_space<semaphore_mem>>
        %dma_start3A = tpu.memref_slice %arg3[%mul3A_5] : memref<65536xf32, #tpu.memory_space<hbm>> -> memref<4096xf32, #tpu.memory_space<hbm>>
        %dma_start3A_24 = tpu.memref_slice %arg3[%mul3A_5] : memref<65536xf32, #tpu.memory_space<hbm>> -> memref<4096xf32, #tpu.memory_space<hbm>>
        tpu.enqueue_dma source(%dma_start3A_24 : memref<4096xf32, #tpu.memory_space<hbm>>) target(%arg7 : memref<4096xf32, #tpu.memory_space<vmem>>) target_semaphore(%run_scoped3A : memref<!tpu.dma_semaphore, #tpu.memory_space<semaphore_mem>>)
        %dma_wait3A = tpu.memref_slice %arg3[%mul3A_5] : memref<65536xf32, #tpu.memory_space<hbm>> -> memref<4096xf32, #tpu.memory_space<hbm>>
        %dma_wait3A_25 = tpu.memref_slice %arg3[%mul3A_5] : memref<65536xf32, #tpu.memory_space<hbm>> -> memref<4096xf32, #tpu.memory_space<hbm>>
        tpu.wait_dma2 semaphore(%run_scoped3A : memref<!tpu.dma_semaphore, #tpu.memory_space<semaphore_mem>>) src(%dma_wait3A_25 : memref<4096xf32, #tpu.memory_space<hbm>>) dst(%arg7 : memref<4096xf32, #tpu.memory_space<vmem>>)
        tpu.yield
      }) : () -> ()
      "tpu.region"() ({
        %run_scoped3A = tpu.sem_alloc : memref<!tpu.dma_semaphore, #tpu.memory_space<semaphore_mem>>
        %dma_start3A = tpu.memref_slice %arg4[%mul3A_5] : memref<65536xf32, #tpu.memory_space<hbm>> -> memref<4096xf32, #tpu.memory_space<hbm>>
        %dma_start3A_24 = tpu.memref_slice %arg4[%mul3A_5] : memref<65536xf32, #tpu.memory_space<hbm>> -> memref<4096xf32, #tpu.memory_space<hbm>>
        tpu.enqueue_dma source(%dma_start3A_24 : memref<4096xf32, #tpu.memory_space<hbm>>) target(%arg8 : memref<4096xf32, #tpu.memory_space<vmem>>) target_semaphore(%run_scoped3A : memref<!tpu.dma_semaphore, #tpu.memory_space<semaphore_mem>>)
        %dma_wait3A = tpu.memref_slice %arg4[%mul3A_5] : memref<65536xf32, #tpu.memory_space<hbm>> -> memref<4096xf32, #tpu.memory_space<hbm>>
        %dma_wait3A_25 = tpu.memref_slice %arg4[%mul3A_5] : memref<65536xf32, #tpu.memory_space<hbm>> -> memref<4096xf32, #tpu.memory_space<hbm>>
        tpu.wait_dma2 semaphore(%run_scoped3A : memref<!tpu.dma_semaphore, #tpu.memory_space<semaphore_mem>>) src(%dma_wait3A_25 : memref<4096xf32, #tpu.memory_space<hbm>>) dst(%arg8 : memref<4096xf32, #tpu.memory_space<vmem>>)
        tpu.yield
      }) : () -> ()
      %parallel_loop3A = arith.constant 0 : i32
      %parallel_loop3A_6 = arith.constant 4096 : i32
      %parallel_loop3A_7 = arith.constant 16 : i32
      scf.for %parallel_loop3A_24 = %parallel_loop3A to %parallel_loop3A_6 step %parallel_loop3A_7  : i32 {
        %parallel_loop3A_25 = arith.constant 0x7F800000 : f32
        %parallel_loop3A_26 = vector.broadcast %parallel_loop3A_25 : f32 to vector<16xf32>
        %parallel_loop3A_27 = arith.index_cast %parallel_loop3A_24 : i32 to index
        %parallel_loop3A_28 = tpu.vector_load %arg9[%parallel_loop3A_27] {strides = array<i32>} : memref<4096xf32, #tpu.memory_space<vmem>>, vector<16xf32>,
        tpu.vector_store %arg9[%parallel_loop3A_27], %parallel_loop3A_26 {strides = array<i32>} : memref<4096xf32, #tpu.memory_space<vmem>>, vector<16xf32>,
      } {sc.loop_unroll_factor = 8 : i64, sc.parallel_access}
      %eq3A_8 = arith.constant 0 : i32
      %eq3A_9 = arith.cmpi eq, %arg1, %eq3A_8 : i32
      %convert_element_type3A_10 = arith.extui %eq3A_9 : i1 to i32
      %cond3A_11 = arith.constant 0 : i32
      %cond3A_12 = arith.cmpi ne, %convert_element_type3A_10, %cond3A_11 : i32
      scf.if %cond3A_12 {
        %get3A = arith.constant 0 : index
        %get3A_24 = tpu.vector_load %arg6[%get3A] {strides = array<i32>} : memref<4096xf32, #tpu.memory_space<vmem>>, vector<16xf32>,
        %bitcast_convert_type3A = tpu.bitcast %get3A_24 : vector<16xf32> -> vector<16xi32>
        %get3A_25 = arith.constant 0 : index
        %get3A_26 = tpu.vector_load %arg7[%get3A_25] {strides = array<i32>} : memref<4096xf32, #tpu.memory_space<vmem>>, vector<16xf32>,
        %bitcast_convert_type3A_27 = tpu.bitcast %get3A_26 : vector<16xf32> -> vector<16xi32>
        %get3A_28 = arith.constant 0 : index
        %get3A_29 = tpu.vector_load %arg8[%get3A_28] {strides = array<i32>} : memref<4096xf32, #tpu.memory_space<vmem>>, vector<16xf32>,
        %bitcast_convert_type3A_30 = tpu.bitcast %get3A_29 : vector<16xf32> -> vector<16xi32>
        %jit3A = arith.constant 0 : i32
        %broadcast_in_dim3A = vector.broadcast %jit3A : i32 to vector<16xi32>
        %select_n3A = arith.select %eq3A_1, %bitcast_convert_type3A, %broadcast_in_dim3A : vector<16xi1>, vector<16xi32>
        %reduce_sum3A = arith.constant true
        %reduce_sum3A_31 = vector.broadcast %reduce_sum3A : i1 to vector<16xi1>
        %reduce_sum3A_32 = tpu.scan <sum>, %select_n3A masked %reduce_sum3A_31 : vector<16xi32>, vector<16xi1> -> vector<16xi32>
        %reduce_sum3A_33 = vector.extract %reduce_sum3A_32[15] : i32 from vector<16xi32>
        %jit3A_34 = arith.constant 0 : i32
        %broadcast_in_dim3A_35 = vector.broadcast %jit3A_34 : i32 to vector<16xi32>
        %select_n3A_36 = arith.select %eq3A_1, %bitcast_convert_type3A_27, %broadcast_in_dim3A_35 : vector<16xi1>, vector<16xi32>
        %reduce_sum3A_37 = arith.constant true
        %reduce_sum3A_38 = vector.broadcast %reduce_sum3A_37 : i1 to vector<16xi1>
        %reduce_sum3A_39 = tpu.scan <sum>, %select_n3A_36 masked %reduce_sum3A_38 : vector<16xi32>, vector<16xi1> -> vector<16xi32>
        %reduce_sum3A_40 = vector.extract %reduce_sum3A_39[15] : i32 from vector<16xi32>
        %jit3A_41 = arith.constant 0 : i32
        %broadcast_in_dim3A_42 = vector.broadcast %jit3A_41 : i32 to vector<16xi32>
        %select_n3A_43 = arith.select %eq3A_1, %bitcast_convert_type3A_30, %broadcast_in_dim3A_42 : vector<16xi1>, vector<16xi32>
        %reduce_sum3A_44 = arith.constant true
        %reduce_sum3A_45 = vector.broadcast %reduce_sum3A_44 : i1 to vector<16xi1>
        %reduce_sum3A_46 = tpu.scan <sum>, %select_n3A_43 masked %reduce_sum3A_45 : vector<16xi32>, vector<16xi1> -> vector<16xi32>
        %reduce_sum3A_47 = vector.extract %reduce_sum3A_46[15] : i32 from vector<16xi32>
        %eq3A_48 = arith.constant 0 : i32
        %eq3A_49 = vector.broadcast %eq3A_48 : i32 to vector<16xi32>
        %eq3A_50 = arith.cmpi eq, %iota3A, %eq3A_49 : vector<16xi32>
        %eq3A_51 = arith.constant 1 : i32
        %eq3A_52 = vector.broadcast %eq3A_51 : i32 to vector<16xi32>
        %eq3A_53 = arith.cmpi eq, %iota3A, %eq3A_52 : vector<16xi32>
        %eq3A_54 = arith.constant 2 : i32
        %eq3A_55 = vector.broadcast %eq3A_54 : i32 to vector<16xi32>
        %eq3A_56 = arith.cmpi eq, %iota3A, %eq3A_55 : vector<16xi32>
        %eq3A_57 = arith.constant 3 : i32
        %eq3A_58 = vector.broadcast %eq3A_57 : i32 to vector<16xi32>
        %eq3A_59 = arith.cmpi eq, %iota3A, %eq3A_58 : vector<16xi32>
        %eq3A_60 = arith.constant 4 : i32
        %eq3A_61 = vector.broadcast %eq3A_60 : i32 to vector<16xi32>
        %eq3A_62 = arith.cmpi eq, %iota3A, %eq3A_61 : vector<16xi32>
        %jit3A_63 = arith.constant 0 : i32
        %broadcast_in_dim3A_64 = vector.broadcast %reduce_sum3A_47 : i32 to vector<16xi32>
        %broadcast_in_dim3A_65 = vector.broadcast %jit3A_63 : i32 to vector<16xi32>
        %select_n3A_66 = arith.select %eq3A_62, %broadcast_in_dim3A_64, %broadcast_in_dim3A_65 : vector<16xi1>, vector<16xi32>
        %broadcast_in_dim3A_67 = vector.broadcast %reduce_sum3A_40 : i32 to vector<16xi32>
        %select_n3A_68 = arith.select %eq3A_59, %broadcast_in_dim3A_67, %select_n3A_66 : vector<16xi1>, vector<16xi32>
        %broadcast_in_dim3A_69 = vector.broadcast %reduce_sum3A_33 : i32 to vector<16xi32>
        %select_n3A_70 = arith.select %eq3A_56, %broadcast_in_dim3A_69, %select_n3A_68 : vector<16xi1>, vector<16xi32>
        %jit3A_71 = arith.constant 0 : i32
        %broadcast_in_dim3A_72 = vector.broadcast %jit3A_71 : i32 to vector<16xi32>
        %select_n3A_73 = arith.select %eq3A_53, %broadcast_in_dim3A_72, %select_n3A_70 : vector<16xi1>, vector<16xi32>
        %jit3A_74 = arith.constant 0 : i32
        %broadcast_in_dim3A_75 = vector.broadcast %jit3A_74 : i32 to vector<16xi32>
        %select_n3A_76 = arith.select %eq3A_50, %broadcast_in_dim3A_75, %select_n3A_73 : vector<16xi1>, vector<16xi32>
        %swap3A = arith.constant 0 : index
        %swap3A_77 = tpu.vector_load %arg13[%swap3A] {strides = array<i32>} : memref<16xi32, #tpu.memory_space<vmem>>, vector<16xi32>,
        tpu.vector_store %arg13[%swap3A], %select_n3A_76 {strides = array<i32>} : memref<16xi32, #tpu.memory_space<vmem>>, vector<16xi32>,
        "tpu.region"() ({
          %run_scoped3A = tpu.sem_alloc : memref<!tpu.dma_semaphore, #tpu.memory_space<semaphore_mem>>
          tpu.enqueue_dma source(%arg13 : memref<16xi32, #tpu.memory_space<vmem>>) target(%arg15 : memref<16xi32, #tpu.memory_space<vmem_shared>>) target_semaphore(%run_scoped3A : memref<!tpu.dma_semaphore, #tpu.memory_space<semaphore_mem>>)
          tpu.wait_dma2 semaphore(%run_scoped3A : memref<!tpu.dma_semaphore, #tpu.memory_space<semaphore_mem>>) src(%arg13 : memref<16xi32, #tpu.memory_space<vmem>>) dst(%arg15 : memref<16xi32, #tpu.memory_space<vmem_shared>>)
          tpu.yield
        }) : () -> ()
      } else {
      }
      %barrier3A = arith.constant 0 : index
      tpu.barrier barrier_id(%barrier3A)
      %scan3A = arith.constant 0 : i32
      %scan3A_13 = arith.constant 0 : i32
      %scan3A_14 = arith.constant 4096 : i32
      %scan3A_15 = arith.addi %scan3A_13, %scan3A_14 : i32
      %scan3A_16 = arith.constant 1 : i32
      %scan3A_17 = scf.for %scan3A_24 = %scan3A_13 to %scan3A_15 step %scan3A_16 iter_args(%scan3A_25 = %scan3A) -> (i32)  : i32 {
        "tpu.region"() ({
          %run_scoped3A = tpu.sem_alloc : memref<!tpu.dma_semaphore, #tpu.memory_space<semaphore_mem>>
          tpu.enqueue_dma source(%arg15 : memref<16xi32, #tpu.memory_space<vmem_shared>>) target(%arg13 : memref<16xi32, #tpu.memory_space<vmem>>) target_semaphore(%run_scoped3A : memref<!tpu.dma_semaphore, #tpu.memory_space<semaphore_mem>>)
          tpu.wait_dma2 semaphore(%run_scoped3A : memref<!tpu.dma_semaphore, #tpu.memory_space<semaphore_mem>>) src(%arg15 : memref<16xi32, #tpu.memory_space<vmem_shared>>) dst(%arg13 : memref<16xi32, #tpu.memory_space<vmem>>)
          tpu.yield
        }) : () -> ()
        %broadcast_in_dim3A = arith.constant 1 : i32
        %broadcast_in_dim3A_26 = vector.broadcast %broadcast_in_dim3A : i32 to vector<16xi32>
        %gather3A = tpu.vector_load_idx %arg13[%broadcast_in_dim3A_26] : memref<16xi32, #tpu.memory_space<vmem>>[vector<16xi32>], vector<16xi32>,
        %broadcast_in_dim3A_27 = arith.constant 2 : i32
        %broadcast_in_dim3A_28 = vector.broadcast %broadcast_in_dim3A_27 : i32 to vector<16xi32>
        %gather3A_29 = tpu.vector_load_idx %arg13[%broadcast_in_dim3A_28] : memref<16xi32, #tpu.memory_space<vmem>>[vector<16xi32>], vector<16xi32>,
        %bitcast_convert_type3A = tpu.bitcast %gather3A_29 : vector<16xi32> -> vector<16xf32>
        %broadcast_in_dim3A_30 = arith.constant 3 : i32
        %broadcast_in_dim3A_31 = vector.broadcast %broadcast_in_dim3A_30 : i32 to vector<16xi32>
        %gather3A_32 = tpu.vector_load_idx %arg13[%broadcast_in_dim3A_31] : memref<16xi32, #tpu.memory_space<vmem>>[vector<16xi32>], vector<16xi32>,
        %bitcast_convert_type3A_33 = tpu.bitcast %gather3A_32 : vector<16xi32> -> vector<16xf32>
        %broadcast_in_dim3A_34 = arith.constant 4 : i32
        %broadcast_in_dim3A_35 = vector.broadcast %broadcast_in_dim3A_34 : i32 to vector<16xi32>
        %gather3A_36 = tpu.vector_load_idx %arg13[%broadcast_in_dim3A_35] : memref<16xi32, #tpu.memory_space<vmem>>[vector<16xi32>], vector<16xi32>,
        %bitcast_convert_type3A_37 = tpu.bitcast %gather3A_36 : vector<16xi32> -> vector<16xf32>
        %eq3A_38 = arith.constant 0 : i32
        %eq3A_39 = arith.cmpi eq, %arg1, %eq3A_38 : i32
        %convert_element_type3A_40 = arith.extui %eq3A_39 : i1 to i32
        %cond3A_41 = arith.constant 0 : i32
        %cond3A_42 = arith.cmpi ne, %convert_element_type3A_40, %cond3A_41 : i32
        scf.if %cond3A_42 {
          %broadcast_in_dim3A_118 = vector.broadcast %scan3A_24 : i32 to vector<16xi32>
          tpu.vector_store_idx %arg10[%broadcast_in_dim3A_118], %gather3A masked %eq3A_1 : memref<4096xi32, #tpu.memory_space<vmem>>[vector<16xi32>], vector<16xi32>, vector<16xi1>
        } else {
        }
        %mul3A_43 = arith.constant 4096 : i32
        %mul3A_44 = arith.muli %arg1, %mul3A_43 : i32
        %broadcast_in_dim3A_45 = arith.constant 0 : i32
        %broadcast_in_dim3A_46 = vector.broadcast %broadcast_in_dim3A_45 : i32 to vector<16xi32>
        %broadcast_in_dim3A_47 = arith.constant -1.000000e+00 : f32
        %broadcast_in_dim3A_48 = vector.broadcast %broadcast_in_dim3A_47 : f32 to vector<16xf32>
        %parallel_loop3A_49 = arith.constant 0 : i32
        %parallel_loop3A_50 = arith.constant 4096 : i32
        %parallel_loop3A_51 = arith.constant 32 : i32
        %parallel_loop3A_52:4 = scf.for %parallel_loop3A_118 = %parallel_loop3A_49 to %parallel_loop3A_50 step %parallel_loop3A_51 iter_args(%parallel_loop3A_119 = %broadcast_in_dim3A_48, %parallel_loop3A_120 = %broadcast_in_dim3A_46, %parallel_loop3A_121 = %broadcast_in_dim3A_48, %parallel_loop3A_122 = %broadcast_in_dim3A_46) -> (vector<16xf32>, vector<16xi32>, vector<16xf32>, vector<16xi32>)  : i32 {
          %parallel_loop3A_123 = arith.index_cast %parallel_loop3A_118 : i32 to index
          %parallel_loop3A_124 = tpu.vector_load %arg6[%parallel_loop3A_123] {strides = array<i32>} : memref<4096xf32, #tpu.memory_space<vmem>>, vector<16xf32>,
          %parallel_loop3A_125 = arith.subf %parallel_loop3A_124, %bitcast_convert_type3A : vector<16xf32>
          %parallel_loop3A_126 = arith.index_cast %parallel_loop3A_118 : i32 to index
          %parallel_loop3A_127 = tpu.vector_load %arg7[%parallel_loop3A_126] {strides = array<i32>} : memref<4096xf32, #tpu.memory_space<vmem>>, vector<16xf32>,
          %parallel_loop3A_128 = arith.subf %parallel_loop3A_127, %bitcast_convert_type3A_33 : vector<16xf32>
          %parallel_loop3A_129 = arith.index_cast %parallel_loop3A_118 : i32 to index
          %parallel_loop3A_130 = tpu.vector_load %arg8[%parallel_loop3A_129] {strides = array<i32>} : memref<4096xf32, #tpu.memory_space<vmem>>, vector<16xf32>,
          %parallel_loop3A_131 = arith.subf %parallel_loop3A_130, %bitcast_convert_type3A_37 : vector<16xf32>
          %parallel_loop3A_132 = arith.mulf %parallel_loop3A_125, %parallel_loop3A_125 : vector<16xf32>
          %parallel_loop3A_133 = arith.mulf %parallel_loop3A_128, %parallel_loop3A_128 : vector<16xf32>
          %parallel_loop3A_134 = arith.addf %parallel_loop3A_132, %parallel_loop3A_133 : vector<16xf32>
          %parallel_loop3A_135 = arith.mulf %parallel_loop3A_131, %parallel_loop3A_131 : vector<16xf32>
          %parallel_loop3A_136 = arith.addf %parallel_loop3A_134, %parallel_loop3A_135 : vector<16xf32>
          %parallel_loop3A_137 = arith.index_cast %parallel_loop3A_118 : i32 to index
          %parallel_loop3A_138 = tpu.vector_load %arg9[%parallel_loop3A_137] {strides = array<i32>} : memref<4096xf32, #tpu.memory_space<vmem>>, vector<16xf32>,
          %parallel_loop3A_139 = arith.minimumf %parallel_loop3A_138, %parallel_loop3A_136 : vector<16xf32>
          %parallel_loop3A_140 = arith.index_cast %parallel_loop3A_118 : i32 to index
          %parallel_loop3A_141 = tpu.vector_load %arg9[%parallel_loop3A_140] {strides = array<i32>} : memref<4096xf32, #tpu.memory_space<vmem>>, vector<16xf32>,
          tpu.vector_store %arg9[%parallel_loop3A_140], %parallel_loop3A_139 {strides = array<i32>} : memref<4096xf32, #tpu.memory_space<vmem>>, vector<16xf32>,
          %parallel_loop3A_142 = arith.addi %mul3A_44, %parallel_loop3A_118 : i32
          %parallel_loop3A_143 = vector.broadcast %parallel_loop3A_142 : i32 to vector<16xi32>
          %parallel_loop3A_144 = arith.addi %iota3A, %parallel_loop3A_143 : vector<16xi32>
          %parallel_loop3A_145 = arith.cmpf ogt, %parallel_loop3A_139, %parallel_loop3A_119 : vector<16xf32>
          %parallel_loop3A_146 = arith.select %parallel_loop3A_145, %parallel_loop3A_139, %parallel_loop3A_119 : vector<16xi1>, vector<16xf32>
          %parallel_loop3A_147 = arith.select %parallel_loop3A_145, %parallel_loop3A_144, %parallel_loop3A_120 : vector<16xi1>, vector<16xi32>
          %parallel_loop3A_148 = arith.constant 16 : i32
          %parallel_loop3A_149 = arith.addi %parallel_loop3A_118, %parallel_loop3A_148 : i32
          %parallel_loop3A_150 = arith.index_cast %parallel_loop3A_149 : i32 to index
          %parallel_loop3A_151 = tpu.vector_load %arg6[%parallel_loop3A_150] {strides = array<i32>} : memref<4096xf32, #tpu.memory_space<vmem>>, vector<16xf32>,
          %parallel_loop3A_152 = arith.subf %parallel_loop3A_151, %bitcast_convert_type3A : vector<16xf32>
          %parallel_loop3A_153 = arith.index_cast %parallel_loop3A_149 : i32 to index
          %parallel_loop3A_154 = tpu.vector_load %arg7[%parallel_loop3A_153] {strides = array<i32>} : memref<4096xf32, #tpu.memory_space<vmem>>, vector<16xf32>,
          %parallel_loop3A_155 = arith.subf %parallel_loop3A_154, %bitcast_convert_type3A_33 : vector<16xf32>
          %parallel_loop3A_156 = arith.index_cast %parallel_loop3A_149 : i32 to index
          %parallel_loop3A_157 = tpu.vector_load %arg8[%parallel_loop3A_156] {strides = array<i32>} : memref<4096xf32, #tpu.memory_space<vmem>>, vector<16xf32>,
          %parallel_loop3A_158 = arith.subf %parallel_loop3A_157, %bitcast_convert_type3A_37 : vector<16xf32>
          %parallel_loop3A_159 = arith.mulf %parallel_loop3A_152, %parallel_loop3A_152 : vector<16xf32>
          %parallel_loop3A_160 = arith.mulf %parallel_loop3A_155, %parallel_loop3A_155 : vector<16xf32>
          %parallel_loop3A_161 = arith.addf %parallel_loop3A_159, %parallel_loop3A_160 : vector<16xf32>
          %parallel_loop3A_162 = arith.mulf %parallel_loop3A_158, %parallel_loop3A_158 : vector<16xf32>
          %parallel_loop3A_163 = arith.addf %parallel_loop3A_161, %parallel_loop3A_162 : vector<16xf32>
          %parallel_loop3A_164 = arith.index_cast %parallel_loop3A_149 : i32 to index
          %parallel_loop3A_165 = tpu.vector_load %arg9[%parallel_loop3A_164] {strides = array<i32>} : memref<4096xf32, #tpu.memory_space<vmem>>, vector<16xf32>,
          %parallel_loop3A_166 = arith.minimumf %parallel_loop3A_165, %parallel_loop3A_163 : vector<16xf32>
          %parallel_loop3A_167 = arith.index_cast %parallel_loop3A_149 : i32 to index
          %parallel_loop3A_168 = tpu.vector_load %arg9[%parallel_loop3A_167] {strides = array<i32>} : memref<4096xf32, #tpu.memory_space<vmem>>, vector<16xf32>,
          tpu.vector_store %arg9[%parallel_loop3A_167], %parallel_loop3A_166 {strides = array<i32>} : memref<4096xf32, #tpu.memory_space<vmem>>, vector<16xf32>,
          %parallel_loop3A_169 = arith.addi %mul3A_44, %parallel_loop3A_149 : i32
          %parallel_loop3A_170 = vector.broadcast %parallel_loop3A_169 : i32 to vector<16xi32>
          %parallel_loop3A_171 = arith.addi %iota3A, %parallel_loop3A_170 : vector<16xi32>
          %parallel_loop3A_172 = arith.cmpf ogt, %parallel_loop3A_166, %parallel_loop3A_121 : vector<16xf32>
          %parallel_loop3A_173 = arith.select %parallel_loop3A_172, %parallel_loop3A_166, %parallel_loop3A_121 : vector<16xi1>, vector<16xf32>
          %parallel_loop3A_174 = arith.select %parallel_loop3A_172, %parallel_loop3A_171, %parallel_loop3A_122 : vector<16xi1>, vector<16xi32>
          scf.yield %parallel_loop3A_146, %parallel_loop3A_147, %parallel_loop3A_173, %parallel_loop3A_174 : vector<16xf32>, vector<16xi32>, vector<16xf32>, vector<16xi32>
        } {sc.loop_unroll_factor = 8 : i64, sc.parallel_access}
        %gt3A = arith.cmpf ogt, %parallel_loop3A_52#0, %parallel_loop3A_52#2 : vector<16xf32>
        %eq3A_53 = arith.cmpf oeq, %parallel_loop3A_52#0, %parallel_loop3A_52#2 : vector<16xf32>
        %lt3A = arith.cmpi slt, %parallel_loop3A_52#1, %parallel_loop3A_52#3 : vector<16xi32>
        %and3A = arith.andi %eq3A_53, %lt3A : vector<16xi1>
        %or3A = arith.ori %gt3A, %and3A : vector<16xi1>
        %select_n3A = arith.select %or3A, %parallel_loop3A_52#0, %parallel_loop3A_52#2 : vector<16xi1>, vector<16xf32>
        %select_n3A_54 = arith.select %or3A, %parallel_loop3A_52#1, %parallel_loop3A_52#3 : vector<16xi1>, vector<16xi32>
        %reduce_max3A = arith.constant true
        %reduce_max3A_55 = vector.broadcast %reduce_max3A : i1 to vector<16xi1>
        %reduce_max3A_56 = tpu.scan <max>, %select_n3A masked %reduce_max3A_55 : vector<16xf32>, vector<16xi1> -> vector<16xf32>
        %reduce_max3A_57 = vector.extract %reduce_max3A_56[15] : f32 from vector<16xf32>
        %eq3A_58 = vector.broadcast %reduce_max3A_57 : f32 to vector<16xf32>
        %eq3A_59 = arith.cmpf oeq, %select_n3A, %eq3A_58 : vector<16xf32>
        %jit3A = arith.constant 2147483647 : i32
        %broadcast_in_dim3A_60 = vector.broadcast %jit3A : i32 to vector<16xi32>
        %select_n3A_61 = arith.select %eq3A_59, %select_n3A_54, %broadcast_in_dim3A_60 : vector<16xi1>, vector<16xi32>
        %reduce_min3A = arith.constant true
        %reduce_min3A_62 = vector.broadcast %reduce_min3A : i1 to vector<16xi1>
        %reduce_min3A_63 = arith.constant -2147483648 : i32
        %reduce_min3A_64 = vector.broadcast %reduce_min3A_63 : i32 to vector<16xi32>
        %reduce_min3A_65 = arith.xori %select_n3A_61, %reduce_min3A_64 : vector<16xi32>
        %reduce_min3A_66 = tpu.scan <min>, %reduce_min3A_65 masked %reduce_min3A_62 : vector<16xi32>, vector<16xi1> -> vector<16xi32>
        %reduce_min3A_67 = arith.xori %reduce_min3A_66, %reduce_min3A_64 : vector<16xi32>
        %reduce_min3A_68 = vector.extract %reduce_min3A_67[15] : i32 from vector<16xi32>
        %eq3A_69 = vector.broadcast %reduce_min3A_68 : i32 to vector<16xi32>
        %eq3A_70 = arith.cmpi eq, %select_n3A_61, %eq3A_69 : vector<16xi32>
        %bitcast_convert_type3A_71 = tpu.bitcast %select_n3A : vector<16xf32> -> vector<16xi32>
        %jit3A_72 = arith.constant 0 : i32
        %broadcast_in_dim3A_73 = vector.broadcast %jit3A_72 : i32 to vector<16xi32>
        %select_n3A_74 = arith.select %eq3A_70, %bitcast_convert_type3A_71, %broadcast_in_dim3A_73 : vector<16xi1>, vector<16xi32>
        %reduce_sum3A = arith.constant true
        %reduce_sum3A_75 = vector.broadcast %reduce_sum3A : i1 to vector<16xi1>
        %reduce_sum3A_76 = tpu.scan <sum>, %select_n3A_74 masked %reduce_sum3A_75 : vector<16xi32>, vector<16xi1> -> vector<16xi32>
        %reduce_sum3A_77 = vector.extract %reduce_sum3A_76[15] : i32 from vector<16xi32>
        %broadcast_in_dim3A_78 = vector.broadcast %reduce_min3A_68 : i32 to vector<16xi32>
        %sub3A = vector.broadcast %mul3A_44 : i32 to vector<16xi32>
        %sub3A_79 = arith.subi %broadcast_in_dim3A_78, %sub3A : vector<16xi32>
        %eq3A_80 = arith.constant 0 : i32
        %eq3A_81 = vector.broadcast %eq3A_80 : i32 to vector<16xi32>
        %eq3A_82 = arith.cmpi eq, %iota3A, %eq3A_81 : vector<16xi32>
        %eq3A_83 = arith.constant 1 : i32
        %eq3A_84 = vector.broadcast %eq3A_83 : i32 to vector<16xi32>
        %eq3A_85 = arith.cmpi eq, %iota3A, %eq3A_84 : vector<16xi32>
        %jit3A_86 = arith.constant 0 : i32
        %broadcast_in_dim3A_87 = vector.broadcast %reduce_min3A_68 : i32 to vector<16xi32>
        %broadcast_in_dim3A_88 = vector.broadcast %jit3A_86 : i32 to vector<16xi32>
        %select_n3A_89 = arith.select %eq3A_85, %broadcast_in_dim3A_87, %broadcast_in_dim3A_88 : vector<16xi1>, vector<16xi32>
        %broadcast_in_dim3A_90 = vector.broadcast %reduce_sum3A_77 : i32 to vector<16xi32>
        %select_n3A_91 = arith.select %eq3A_82, %broadcast_in_dim3A_90, %select_n3A_89 : vector<16xi1>, vector<16xi32>
        %swap3A = arith.constant 0 : index
        %swap3A_92 = tpu.vector_load %arg11[%swap3A] {strides = array<i32>} : memref<16xi32, #tpu.memory_space<vmem>>, vector<16xi32>,
        tpu.vector_store %arg11[%swap3A], %select_n3A_91 {strides = array<i32>} : memref<16xi32, #tpu.memory_space<vmem>>, vector<16xi32>,
        %gather3A_93 = tpu.vector_load_idx %arg6[%sub3A_79] : memref<4096xf32, #tpu.memory_space<vmem>>[vector<16xi32>], vector<16xf32>,
        %bitcast_convert_type3A_94 = tpu.bitcast %gather3A_93 : vector<16xf32> -> vector<16xi32>
        %eq3A_95 = arith.constant 2 : i32
        %eq3A_96 = vector.broadcast %eq3A_95 : i32 to vector<16xi32>
        %eq3A_97 = arith.cmpi eq, %iota3A, %eq3A_96 : vector<16xi32>
        tpu.vector_store_idx %arg11[%iota3A], %bitcast_convert_type3A_94 masked %eq3A_97 : memref<16xi32, #tpu.memory_space<vmem>>[vector<16xi32>], vector<16xi32>, vector<16xi1>
        %gather3A_98 = tpu.vector_load_idx %arg7[%sub3A_79] : memref<4096xf32, #tpu.memory_space<vmem>>[vector<16xi32>], vector<16xf32>,
        %bitcast_convert_type3A_99 = tpu.bitcast %gather3A_98 : vector<16xf32> -> vector<16xi32>
        %eq3A_100 = arith.constant 3 : i32
        %eq3A_101 = vector.broadcast %eq3A_100 : i32 to vector<16xi32>
        %eq3A_102 = arith.cmpi eq, %iota3A, %eq3A_101 : vector<16xi32>
        tpu.vector_store_idx %arg11[%iota3A], %bitcast_convert_type3A_99 masked %eq3A_102 : memref<16xi32, #tpu.memory_space<vmem>>[vector<16xi32>], vector<16xi32>, vector<16xi1>
        %gather3A_103 = tpu.vector_load_idx %arg8[%sub3A_79] : memref<4096xf32, #tpu.memory_space<vmem>>[vector<16xi32>], vector<16xf32>,
        %bitcast_convert_type3A_104 = tpu.bitcast %gather3A_103 : vector<16xf32> -> vector<16xi32>
        %eq3A_105 = arith.constant 4 : i32
        %eq3A_106 = vector.broadcast %eq3A_105 : i32 to vector<16xi32>
        %eq3A_107 = arith.cmpi eq, %iota3A, %eq3A_106 : vector<16xi32>
        tpu.vector_store_idx %arg11[%iota3A], %bitcast_convert_type3A_104 masked %eq3A_107 : memref<16xi32, #tpu.memory_space<vmem>>[vector<16xi32>], vector<16xi32>, vector<16xi1>
        %mul3A_108 = arith.constant 16 : i32
        %mul3A_109 = arith.muli %arg1, %mul3A_108 : i32
        "tpu.region"() ({
          %run_scoped3A = tpu.sem_alloc : memref<!tpu.dma_semaphore, #tpu.memory_space<semaphore_mem>>
          %dma_start3A = tpu.memref_slice %arg14[%mul3A_109] : memref<256xi32, #tpu.memory_space<vmem_shared>> -> memref<16xi32, #tpu.memory_space<vmem_shared>>
          %dma_start3A_118 = tpu.memref_slice %arg14[%mul3A_109] : memref<256xi32, #tpu.memory_space<vmem_shared>> -> memref<16xi32, #tpu.memory_space<vmem_shared>>
          tpu.enqueue_dma source(%arg11 : memref<16xi32, #tpu.memory_space<vmem>>) target(%dma_start3A_118 : memref<16xi32, #tpu.memory_space<vmem_shared>>) target_semaphore(%run_scoped3A : memref<!tpu.dma_semaphore, #tpu.memory_space<semaphore_mem>>)
          %dma_wait3A = tpu.memref_slice %arg14[%mul3A_109] : memref<256xi32, #tpu.memory_space<vmem_shared>> -> memref<16xi32, #tpu.memory_space<vmem_shared>>
          %dma_wait3A_119 = tpu.memref_slice %arg14[%mul3A_109] : memref<256xi32, #tpu.memory_space<vmem_shared>> -> memref<16xi32, #tpu.memory_space<vmem_shared>>
          tpu.wait_dma2 semaphore(%run_scoped3A : memref<!tpu.dma_semaphore, #tpu.memory_space<semaphore_mem>>) src(%arg11 : memref<16xi32, #tpu.memory_space<vmem>>) dst(%dma_wait3A_119 : memref<16xi32, #tpu.memory_space<vmem_shared>>)
          tpu.yield
        }) : () -> ()
        %barrier3A_110 = arith.constant 0 : index
        tpu.barrier barrier_id(%barrier3A_110)
        %eq3A_111 = arith.constant 0 : i32
        %eq3A_112 = arith.cmpi eq, %arg1, %eq3A_111 : i32
        %convert_element_type3A_113 = arith.extui %eq3A_112 : i1 to i32
        %cond3A_114 = arith.constant 0 : i32
        %cond3A_115 = arith.cmpi ne, %convert_element_type3A_113, %cond3A_114 : i32
        scf.if %cond3A_115 {
          "tpu.region"() ({
            %run_scoped3A = tpu.sem_alloc : memref<!tpu.dma_semaphore, #tpu.memory_space<semaphore_mem>>
            tpu.enqueue_dma source(%arg14 : memref<256xi32, #tpu.memory_space<vmem_shared>>) target(%arg12 : memref<256xi32, #tpu.memory_space<vmem>>) target_semaphore(%run_scoped3A : memref<!tpu.dma_semaphore, #tpu.memory_space<semaphore_mem>>)
            tpu.wait_dma2 semaphore(%run_scoped3A : memref<!tpu.dma_semaphore, #tpu.memory_space<semaphore_mem>>) src(%arg14 : memref<256xi32, #tpu.memory_space<vmem_shared>>) dst(%arg12 : memref<256xi32, #tpu.memory_space<vmem>>)
            tpu.yield
          }) : () -> ()
          %mul3A_118 = arith.constant 16 : i32
          %mul3A_119 = vector.broadcast %mul3A_118 : i32 to vector<16xi32>
          %mul3A_120 = arith.muli %iota3A, %mul3A_119 : vector<16xi32>
          %gather3A_121 = tpu.vector_load_idx %arg12[%mul3A_120] : memref<256xi32, #tpu.memory_space<vmem>>[vector<16xi32>], vector<16xi32>,
          %reduce_max3A_122 = arith.constant true
          %reduce_max3A_123 = vector.broadcast %reduce_max3A_122 : i1 to vector<16xi1>
          %reduce_max3A_124 = arith.constant -2147483648 : i32
          %reduce_max3A_125 = vector.broadcast %reduce_max3A_124 : i32 to vector<16xi32>
          %reduce_max3A_126 = arith.xori %gather3A_121, %reduce_max3A_125 : vector<16xi32>
          %reduce_max3A_127 = tpu.scan <max>, %reduce_max3A_126 masked %reduce_max3A_123 : vector<16xi32>, vector<16xi1> -> vector<16xi32>
          %reduce_max3A_128 = arith.xori %reduce_max3A_127, %reduce_max3A_125 : vector<16xi32>
          %reduce_max3A_129 = vector.extract %reduce_max3A_128[15] : i32 from vector<16xi32>
          %eq3A_130 = vector.broadcast %reduce_max3A_129 : i32 to vector<16xi32>
          %eq3A_131 = arith.cmpi eq, %gather3A_121, %eq3A_130 : vector<16xi32>
          %jit3A_132 = arith.constant 2147483647 : i32
          %broadcast_in_dim3A_133 = vector.broadcast %jit3A_132 : i32 to vector<16xi32>
          %select_n3A_134 = arith.select %eq3A_131, %iota3A, %broadcast_in_dim3A_133 : vector<16xi1>, vector<16xi32>
          %reduce_min3A_135 = arith.constant true
          %reduce_min3A_136 = vector.broadcast %reduce_min3A_135 : i1 to vector<16xi1>
          %reduce_min3A_137 = arith.constant -2147483648 : i32
          %reduce_min3A_138 = vector.broadcast %reduce_min3A_137 : i32 to vector<16xi32>
          %reduce_min3A_139 = arith.xori %select_n3A_134, %reduce_min3A_138 : vector<16xi32>
          %reduce_min3A_140 = tpu.scan <min>, %reduce_min3A_139 masked %reduce_min3A_136 : vector<16xi32>, vector<16xi1> -> vector<16xi32>
          %reduce_min3A_141 = arith.xori %reduce_min3A_140, %reduce_min3A_138 : vector<16xi32>
          %reduce_min3A_142 = vector.extract %reduce_min3A_141[15] : i32 from vector<16xi32>
          %mul3A_143 = arith.constant 16 : i32
          %mul3A_144 = arith.muli %reduce_min3A_142, %mul3A_143 : i32
          %get3A = arith.index_cast %mul3A_144 : i32 to index
          %get3A_145 = tpu.vector_load %arg12[%get3A] {strides = array<i32>} : memref<256xi32, #tpu.memory_space<vmem>>, vector<16xi32>,
          %swap3A_146 = arith.constant 0 : index
          %swap3A_147 = tpu.vector_load %arg13[%swap3A_146] {strides = array<i32>} : memref<16xi32, #tpu.memory_space<vmem>>, vector<16xi32>,
          tpu.vector_store %arg13[%swap3A_146], %get3A_145 {strides = array<i32>} : memref<16xi32, #tpu.memory_space<vmem>>, vector<16xi32>,
          "tpu.region"() ({
            %run_scoped3A = tpu.sem_alloc : memref<!tpu.dma_semaphore, #tpu.memory_space<semaphore_mem>>
            tpu.enqueue_dma source(%arg13 : memref<16xi32, #tpu.memory_space<vmem>>) target(%arg15 : memref<16xi32, #tpu.memory_space<vmem_shared>>) target_semaphore(%run_scoped3A : memref<!tpu.dma_semaphore, #tpu.memory_space<semaphore_mem>>)
            tpu.wait_dma2 semaphore(%run_scoped3A : memref<!tpu.dma_semaphore, #tpu.memory_space<semaphore_mem>>) src(%arg13 : memref<16xi32, #tpu.memory_space<vmem>>) dst(%arg15 : memref<16xi32, #tpu.memory_space<vmem_shared>>)
            tpu.yield
          }) : () -> ()
        } else {
        }
        %barrier3A_116 = arith.constant 0 : index
        tpu.barrier barrier_id(%barrier3A_116)
        %scan3A_117 = arith.constant 0 : i32
        scf.yield %scan3A_117 : i32
      }
      %scan3A_18 = arith.constant 4096 : i32
      %eq3A_19 = arith.constant 0 : i32
      %eq3A_20 = arith.cmpi eq, %arg1, %eq3A_19 : i32
      %convert_element_type3A_21 = arith.extui %eq3A_20 : i1 to i32
      %cond3A_22 = arith.constant 0 : i32
      %cond3A_23 = arith.cmpi ne, %convert_element_type3A_21, %cond3A_22 : i32
      scf.if %cond3A_23 {
        "tpu.region"() ({
          %run_scoped3A = tpu.sem_alloc : memref<!tpu.dma_semaphore, #tpu.memory_space<semaphore_mem>>
          tpu.enqueue_dma source(%arg10 : memref<4096xi32, #tpu.memory_space<vmem>>) target(%arg5 : memref<4096xi32, #tpu.memory_space<hbm>>) target_semaphore(%run_scoped3A : memref<!tpu.dma_semaphore, #tpu.memory_space<semaphore_mem>>)
          tpu.wait_dma2 semaphore(%run_scoped3A : memref<!tpu.dma_semaphore, #tpu.memory_space<semaphore_mem>>) src(%arg10 : memref<4096xi32, #tpu.memory_space<vmem>>) dst(%arg5 : memref<4096xi32, #tpu.memory_space<hbm>>)
          tpu.yield
        }) : () -> ()
      } else {
      }
    } else {
    }
    return
  }
}

</mosaic_0001>

<sc_bundles>
// kernel: kernel.3.cloned.1.call-start
scs
__scs_entry_jumppad:
0x0: {  	(pc) =	sbr.rel $0x88, $3  }
0x1: {  	(tag) =	ssettag $0x0;
	lr =	simm.s32 $0x1  }
0x2: {  	[smem:$0x3FA0] =	sst lr;
	_ =	strace $0xD0000000  }
0x3: {  	_ = 	snop  }
0x4: {  	_ = 	snop  }
0x5: {  	_ = 	snop  }
0x6: {  	_ = 	snop  }
0x7: {  	_ = 	snop  }
__scs_overlays_trampoline_lowered:
0x8: {  	[smem:$0x3FAF] =	sst s0  }
0x9: {  	[smem:$0x3FB0] =	sst s1  }
0xa: {  	[smem:$0x3FB1] =	sst s2  }
0xb: {  	[smem:$0x3FB2] =	sst s3  }
0xc: {  	[smem:$0x3FB3] =	sst s4  }
0xd: {  	[smem:$0x3FB4] =	sst s5  }
0xe: {  	[smem:$0x3FB5] =	sst s6  }
0xf: {  	[smem:$0x3FB6] =	sst s7  }
0x10: {  	[smem:$0x3FB7] =	sst s8  }
0x11: {  	[smem:$0x3FB8] =	sst s9;
	s0 =	simm.s32 @!p0 $0x0  }
0x12: {  	s1 =	sld [smem:$0x3F9E];
	s0 =	simm.s32 @p0 $0x1  }
0x13: {  	[smem:$0x3FB9] =	sst s0;
	s0 =	simm.s32 @!p1 $0x0  }
0x14: {  	s2 =	sld [smem:$0x3F9D];
	s0 =	simm.s32 @p1 $0x1  }
0x15: {  	[smem:$0x3FBA] =	sst s0;
	s0 =	simm.s32 @!p2 $0x0  }
0x16: {  	s3 =	sld [smem:$0x3FDB];
	s0 =	simm.s32 @p2 $0x1  }
0x17: {  	s4 =	simm.s32 $0x1BF5;
	[smem:$0x3FBC] =	sst s0  }
0x18: {  	s0 =	sld [smem:$0x3F9F];
	_ =	swait.ge [sflag:s4], $0x0  }
0x19: {  	s7 =	sld [smem:$0x3FA0]  }
0x1a: {  	s8 =	sadd.s32 $0xFFFFE003, lr  }
0x1b: {  	s9 =	sadd.s32 $0xFFFFFEF7, lr;
	s5 =	simm.s32 $0xFFFFFFFF;
	p2 =	slt.u32 s8, $0xFFFFF086  }
0x1c: {  	p1 =	slt.u32 s9, $0xF7A;
	s5 =	simm.s32 @!p2 $0x0  }
0x1d: {  	s5 =	simm.s32 @p1 $0x1;
	p0 =	seq.s32 s7, s2  }
0x1e: {  	s7 =	smul.u32 @!p0 $0xF7A, s2;
	p2 =	seq.s32 @!p0 s5, $0x0  }
0x1f: {  	s9 =	smul.u32 $0xF7A, s1;
	s8 =	simm.s32 @!p0 $0x1BF5;
	p2 =	por !p2, p0  }
0x20: {  	[sflag:s8] =	ssyncset.s32 @!p0 $0xFFFFF086;
	s6 =	sadd.s32 @!p0 s3, s7;
	s7 =	simm.s32 @!p0 $0x108  }
0x21: {  	s3 =	sadd.s32 s3, s9;
	s6 =	sadd.s32 @!p0 $0x88, s6;
	s7 =	simm.s32 @p2 $0x1082  }
0x22: {  	[simem:s7], [sflag:s8] =	dma.local @!p0 [hbm:s6], $0xF7A  }
0x23: {  	s9 =	sor.u32 $0xD0000000, s2;
	s6 =	simm.s32 $0x108;
	_ =	swait.ge @!p0 [sflag:s8], $0x0  }
0x24: {  	s3 =	sadd.s32 $0x88, s3;
	s6 =	simm.s32 @!p1 $0x1082;
	[sflag:s4] =	ssyncset.s32 $0xFFFFF086  }
0x25: {  	[simem:s6], [sflag:s4] =	dma.local [hbm:s3], $0xF7A  }
0x26: {  	[smem:$0x3FA0] =	sst s1;
	(tag) =	ssettag s2;
	_ =	strace s9  }
0x27: {  	s1 =	sld [smem:$0x3FB0]  }
0x28: {  	s2 =	sld [smem:$0x3FB1]  }
0x29: {  	s4 =	sld [smem:$0x3FB3]  }
0x2a: {  	p0 =	seq.s32 s5, $0x0;
	s5 =	sld [smem:$0x3FB4]  }
0x2b: {  	s6 =	sld [smem:$0x3FB5]  }
0x2c: {  	s7 =	sld [smem:$0x3FB6]  }
0x2d: {  	s3 =	simm.s32 $0x108;
	s8 =	sld [smem:$0x3FB7]  }
0x2e: {  	s3 =	simm.s32 @!p0 $0x1082;
	s9 =	sld [smem:$0x3FB8]  }
0x2f: {  	lr =	sadd.s32 s0, s3;
	s0 =	sld [smem:$0x3FAF]  }
0x30: {  	s3 =	sld [smem:$0x3FB2]  }
0x31: {  	[smem:$0x3FBB] =	sst s10  }
0x32: {  	s10 =	sld [smem:$0x3FB9];
	_ =	sdelay $0x3  }
0x33: {  	p0 =	seq.s32 s10, $0x1;
	s10 =	sld [smem:$0x3FBB];
	_ =	sdelay $0x3  }
0x34: {  	[smem:$0x3FBB] =	sst s10  }
0x35: {  	s10 =	sld [smem:$0x3FBA];
	_ =	sdelay $0x3  }
0x36: {  	p1 =	seq.s32 s10, $0x1;
	s10 =	sld [smem:$0x3FBB];
	_ =	sdelay $0x3  }
0x37: {  	[smem:$0x3FBB] =	sst s10  }
0x38: {  	s10 =	sld [smem:$0x3FBC]  }
0x39: {  	_ = 	snop;
	(pc) =	sbr.ind lr, $3  }
0x3a: {  	_ = 	snop  }
0x3b: {  	_ = 	snop  }
0x3c: {  	p2 =	seq.s32 s10, $0x1;
	s10 =	sld [smem:$0x3FBB]  }
0x3d: {  	_ =	shalt  }
0x3e: {  	_ =	shalt  }
0x3f: {  	_ =	shalt  }
0x40: {  	_ =	shalt  }
0x41: {  	_ =	shalt  }
0x42: {  	_ =	shalt  }
0x43: {  	_ =	shalt  }
0x44: {  	_ =	shalt  }
0x45: {  	_ =	shalt  }
0x46: {  	_ =	shalt  }
0x47: {  	_ =	shalt  }
0x48: {  	_ =	shalt  }
0x49: {  	_ =	shalt  }
0x4a: {  	_ =	shalt  }
0x4b: {  	_ =	shalt  }
0x4c: {  	_ =	shalt  }
0x4d: {  	_ =	shalt  }
0x4e: {  	_ =	shalt  }
0x4f: {  	_ =	shalt  }
0x50: {  	_ =	shalt  }
0x51: {  	_ =	shalt  }
0x52: {  	_ =	shalt  }
0x53: {  	_ =	shalt  }
0x54: {  	_ =	shalt  }
0x55: {  	_ =	shalt  }
0x56: {  	_ =	shalt  }
0x57: {  	_ =	shalt  }
0x58: {  	_ =	shalt  }
0x59: {  	_ =	shalt  }
0x5a: {  	_ =	shalt  }
0x5b: {  	_ =	shalt  }
0x5c: {  	_ =	shalt  }
0x5d: {  	_ =	shalt  }
0x5e: {  	_ =	shalt  }
0x5f: {  	_ =	shalt  }
0x60: {  	_ =	shalt  }
0x61: {  	_ =	shalt  }
0x62: {  	_ =	shalt  }
0x63: {  	_ =	shalt  }
0x64: {  	_ =	shalt  }
0x65: {  	_ =	shalt  }
0x66: {  	_ =	shalt  }
0x67: {  	_ =	shalt  }
0x68: {  	_ =	shalt  }
0x69: {  	_ =	shalt  }
0x6a: {  	_ =	shalt  }
0x6b: {  	_ =	shalt  }
0x6c: {  	_ =	shalt  }
0x6d: {  	_ =	shalt  }
0x6e: {  	_ =	shalt  }
0x6f: {  	_ =	shalt  }
0x70: {  	_ =	shalt  }
0x71: {  	_ =	shalt  }
0x72: {  	_ =	shalt  }
0x73: {  	_ =	shalt  }
0x74: {  	_ =	shalt  }
0x75: {  	_ =	shalt  }
0x76: {  	_ =	shalt  }
0x77: {  	_ =	shalt  }
0x78: {  	_ =	shalt  }
0x79: {  	_ =	shalt  }
0x7a: {  	_ =	shalt  }
0x7b: {  	_ =	shalt  }
0x7c: {  	_ =	shalt  }
0x7d: {  	_ =	shalt  }
0x7e: {  	_ =	shalt  }
0x7f: {  	_ =	shalt  }
0x80: {  	_ =	shalt  }
0x81: {  	_ =	shalt  }
0x82: {  	_ =	shalt  }
0x83: {  	_ =	shalt  }
0x84: {  	_ =	shalt  }
0x85: {  	_ =	shalt  }
0x86: {  	_ =	shalt  }
0x87: {  	_ =	shalt  }
.Lfunc_end0:
.L_simem_size_0:
called_computation_lowered:
.L_overlay_start_0:
0x88: {  	s2 =	sld [smem:$0x3FD9]  }
0x89: {  	s3 =	sld [smem:$0x3FFE];
	_ =	sdelay $0x1  }
0x8a: {  	s1 =	srdreg.scid  }
0x8b: {  	s0 =	sand.u32 $0x1, s1  }
0x8c: {  	s17 =	sshll.u32 s0, $0xA;
	s2 =	sadd.s32 s3, s2  }
0x8d: {  	s2 =	sadd.s32 s2, s17  }
0x8e: {  	[smem:$0x3FC7] =	sst s2  }
0x8f: {  	_ = 	snop  }
0x90: {  	s2 =	sld [smem:$0x3FD0];
	(tm) =	ssettm $0x1  }
0x91: {  	s18 =	sld [smem:$0x3FFB];
	_ =	sdelay $0x3  }
0x92: {  	_ =	strace s18  }
0x93: {  	s3 =	sld [smem:$0x3FFC];
	_ =	sdelay $0x3  }
0x94: {  	_ =	strace s3  }
0x95: {  	s3 =	sld [smem:$0x3FFD];
	_ =	sdelay $0x3  }
0x96: {  	_ =	strace s3  }
0x97: {  	_ =	strace $0x8FFFFFFF  }
0x98: {  	s19 =	sld [smem:$0x3FDB];
	_ =	sdelay $0x1  }
0x99: {  	s4 =	simm.s32 $_scs_section_size  }
0x9a: {  	s5 =	simm.s32 $_size__tile_overlayer_lowered;
	s6 =	simm.s32 $_tile_overlayer_lowered  }
0x9b: {  	s22 =	simm.s32 $0x1BFF;
	s21 =	sshll.u32 s6, $0x1;
	s3 =	sadd.s32 s4, s19  }
0x9c: {  	s7 =	simm.s32 $0x0;
	s20 =	sshll.u32 s5, $0x1;
	s5 =	sadd.s32 s21, s3  }
0x9d: {  	[timem:s7], [sflag:s22] =	dma.local [hbm:s5], s20  }
0x9e: {  	_ =	swait.ge [sflag:s22], s20  }
0x9f: {  	s4 =	ssub.s32 $0x0, s20;
	[sflag:s22] =	ssyncset.done $0x0  }
0xa0: {  	[sflag:s22] =	ssyncadd.s32 s4;
	_ =	sdelay $0x1  }
0xa1: {  	s23 =	simm.s32 $0x1B8B  }
0xa2: {  	_ =	swait.ge [sflag:s23], $0x1  }
0xa3: {  	[sflag:s23] =	ssyncset.done $0x0  }
0xa4: {  	s25 =	simm.s32 $0x1B8E;
	s24 =	sld [smem:$0x3FFE];
	[sflag:s23] =	ssyncadd.s32 $0xFFFFFFFF  }
0xa5: {  	s26 =	simm.s32 $execute0_lowered;
	[smem:$0x3FD2] =	sst s25  }
0xa6: {  	s5 =	sshll.u32 s26, $0x1;
	_ =	strace $0x80000046;
	[dreg:$0x1] =	wrdreg $0xFFFFFFFF  }
0xa7: {  	s28 =	simm.s32 $_size_execute0_lowered;
	s3 =	sadd.s32 s3, s5;
	[dreg:$0x0] =	wrdreg $0x0  }
0xa8: {  	s5 =	sshll.u32 s28, $0x1;
	[dreg:$0x2] =	wrdreg s3  }
0xa9: {  	[dreg:$0x3] =	wrdreg s5  }
0xaa: {  	[dreg:$0x4] =	wrdreg $0xC0  }
0xab: {  	_ =	task [dreg:s7], $0x5FFFF  }
0xac: {  	[dreg:$0x1] =	wrdreg $0xFFFFFFFF  }
0xad: {  	[dreg:$0x0] =	wrdreg $0x60  }
0xae: {  	[dreg:$0x2] =	wrdreg s24  }
0xaf: {  	[dreg:$0x3] =	wrdreg s2  }
0xb0: {  	[dreg:$0x4] =	wrdreg $0x52100  }
0xb1: {  	[dreg:$0x5] =	wrdreg $0x52000  }
0xb2: {  	[dreg:$0x6] =	wrdreg $0x9  }
0xb3: {  	_ =	task.clear_ibuf [dreg:s7], $0x7FFFF;
	_ =	strace $0x90000046  }
0xb4: {  	s29 =	simm.s32 $0x9;
	_ =	strace $0x80000048  }
0xb5: {  	_ =	swait.ge [sflag:s29], $0x1  }
0xb6: {  	[sflag:s29] =	ssyncadd.s32 $0xFFFFFFFF  }
0xb7: {  	_ =	strace $0x90000048  }
0xb8: {  	_ =	sfence  }
0xb9: {  	s30 =	sld [smem:$0x0];
	_ =	sdelay $0x2  }
0xba: {  	s31 =	sshll.u32 s1, $0xD;
	s1 =	sshrl.u32 s1, $0x2  }
0xbb: {  	s3 =	sand.u32 $0x4000, s31;
	s1 =	sadd.s32 s1, s30  }
0xbc: {  	s0 =	sor.u32 s3, s0;
	s1 =	sshll.u32 s1, $0x11  }
0xbd: {  	s0 =	sor.u32 s1, s0  }
0xbe: {  	s0 =	sadd.s32 $0x8F2B, s0  }
0xbf: {  	[sflag:s0] =	ssyncadd.remote.s32 $0x1  }
0xc0: {  	_ =	sfence.sel $0xFFFF  }
0xc1: {  	[dreg:$0x0] =	wrdreg $0xFFFFFFFF;
	(pc) =	sbr.abs _section_cstart, $3  }
0xc2: {  	[dreg:$0x1] =	wrdreg $0xFFFFFFFF  }
0xc3: {  	_ =	task.clear_ibuf [dreg:s7], $0x2FFFF;
	_ =	strace $0x9FFFFFFF  }
0xc4: {  	(tm) =	ssettm $0x7FFFFFFF  }
0xc5: {  	_ =	shalt  }
tec
execute0_lowered:
.L_overlay_start_1:
0x0: {  	(tag) =	ssettag $0x1  }
0x1: {  	s2 =	srdreg.scid  }
0x2: {  	s2 =	sand.u32 $0x1, s2  }
0x3: {  	s5 =	rddreg [dreg:$0x0];
	p0 =	seq.s32 s2, $0x1  }
.Ltmp0:
0x4: {  	s1 =	rddreg [dreg:$0x1];
	(pc) =	sbr.rel @p0 .LBB2_9-.Ltmp0, $4  }
0x5: {  	s3 =	rddreg [dreg:$0x2]  }
0x6: {  	s4 =	rddreg [dreg:$0x3];
	s6 =	simm.s32 $0x0  }
0x7: {  	[smem:$0x7FF] =	sst s6  }
0x8: {  	s0 =	rddreg [dreg:$0x4];
	_ =	strace $0x80000047;
	s2 =	stileid.u32  }
0x9: {  	s7 =	sadd.s32 $0x4600, s5;
	s8 =	sshll.u32 s2, $0x9  }
0xa: {  	s28 =	simm.s32 $0x1;
	s7 =	sadd.s32 s7, s8  }
0xb: {  	[tilespmem:s6], [sflag:$0x1] =	stream.linear.gather [hbm4b:s7+s6], $0x1000, $0x38;
	[tilespmem:$0x5218] =	vst v63  }
0xc: {  	_ =	swait.ge [sflag:s28], $0x1000  }
0xd: {  	s9 =	sadd.s32 $0x2600, s5;
	[sflag:s28] =	ssyncset.done $0x0  }
0xe: {  	s10 =	simm.s32 $0x1000;
	s9 =	sadd.s32 s9, s8;
	[sflag:s28] =	ssyncadd.s32 $0xFFFFF000  }
0xf: {  	[tilespmem:s10], [sflag:$0x1] =	stream.linear.gather [hbm4b:s9+s6], $0x1000, $0x38;
	[tilespmem:$0x5218] =	vst v63  }
0x10: {  	_ =	swait.ge [sflag:s28], $0x1000  }
0x11: {  	s29 =	sadd.s32 $0x600, s5;
	[sflag:s28] =	ssyncset.done $0x0  }
0x12: {  	s30 =	simm.s32 $0x2000;
	s5 =	sadd.s32 s29, s8;
	[sflag:s28] =	ssyncadd.s32 $0xFFFFF000  }
0x13: {  	[tilespmem:s30], [sflag:$0x1] =	stream.linear.gather [hbm4b:s5+s6], $0x1000, $0x38;
	[tilespmem:$0x5218] =	vst v63  }
0x14: {  	_ =	swait.ge [sflag:s28], $0x1000  }
0x15: {  	[sflag:s28] =	ssyncset.done $0x0  }
0x16: {  	v0 =	vimm.f32 $+Inf;
	s7 =	simm.s32 $0x3040;
	[sflag:s28] =	ssyncadd.s32 $0xFFFFF000  }
0x17: {  	[tilespmem:s7+$0xFFFFFFC0] =	vst v0  }
0x18: {  	[tilespmem:s7+$0x30] =	vst v0  }
0x19: {  	[tilespmem:s7+$0x20] =	vst v0  }
0x1a: {  	[tilespmem:s7+$0x10] =	vst v0  }
0x1b: {  	[tilespmem:s7+$0x0] =	vst v0  }
0x1c: {  	s31 =	sshll.u32 s2, $0x4;
	[tilespmem:s7+$0xFFFFFFF0] =	vst v0  }
0x1d: {  	s8 =	simm.s32 $0x0;
	s5 =	sshll.u32 s2, $0xC;
	s6 =	sadd.s32 s31, s4;
	[tilespmem:s7+$0xFFFFFFE0] =	vst v0  }
.LBB2_2:
0x1e: {  	s8 =	sadd.s32 $0x80, s8;
	[tilespmem:s7+$0xFFFFFFD0] =	vst v0;
	s7 =	sadd.s32 $0x80, s7  }
0x1f: {  	[tilespmem:s7+$0xFFFFFFC0] =	vst v0;
	p0 =	slt.u32 s8, $0xF80  }
0x20: {  	[tilespmem:s7+$0x30] =	vst v0  }
.Ltmp1:
0x21: {  	[tilespmem:s7+$0x20] =	vst v0;
	(pc) =	sbr.rel @p0 .LBB2_2-.Ltmp1, $4  }
0x22: {  	[tilespmem:s7+$0x10] =	vst v0  }
0x23: {  	[tilespmem:s7+$0x0] =	vst v0  }
0x24: {  	[tilespmem:s7+$0xFFFFFFF0] =	vst v0  }
0x25: {  	[tilespmem:s7+$0xFFFFFFE0] =	vst v0  }
0x26: {  	[tilespmem:s7+$0xFFFFFFD0] =	vst v0;
	p0 =	sne.s32 s2, $0x0  }
0x27: {  	v0 =	vld @!p0 [tilespmem:$0x0]  }
0x28: {  	v1 =	vld @!p0 [tilespmem:$0x1000]  }
0x29: {  	v2 =	vld @!p0 [tilespmem:$0x2000];
	_ =	sdelay $0x1  }
0x2a: {  	vm0 =	vmmov @!p0 $0x1  }
0x2b: {  	v0 =	vnsel @!p0 vm0, $0x0, v0  }
0x2c: {  	(xrf0) =	vadd.scan.msk.s32 @!p0 $0xffff, v0;
	v0 =	vnsel @!p0 vm0, $0x0, v1  }
0x2d: {  	(xrf0) =	vadd.scan.msk.s32 @!p0 $0xffff, v0;
	v0 =	vnsel @!p0 vm0, $0x0, v2  }
0x2e: {  	(xrf0) =	vadd.scan.msk.s32 @!p0 $0xffff, v0;
	_ =	sdelay $0x3  }
0x2f: {  	v0, _, _ =	vpop @!p0 (xrf0)  }
0x30: {  	v1, _, _ =	vpop @!p0 (xrf0)  }
0x31: {  	v2, _, _ =	vpop @!p0 (xrf0)  }
0x32: {  	v2 =	vbroadcast @!p0 v2, $0xF  }
0x33: {  	vm0 =	vcmask @!p0 $0x1310;
	v1 =	vbroadcast @!p0 v1, $0xF  }
0x34: {  	v0 =	vbroadcast @!p0 v0, $0xF;
	v2 =	vnsel @!p0 vm0, $0x0, v2;
	vm0 =	vcmask @!p0 $0x3F10  }
0x35: {  	v1 =	vsel @!p0 vm0, v2, v1;
	vm0 =	vcmask @!p0 $0x3F0C  }
0x36: {  	v0 =	vsel @!p0 vm0, v1, v0;
	vm0 =	vmmov @!p0 $0x3  }
0x37: {  	v0 =	vsel @!p0 vm0, $0x0, v0  }
0x38: {  	s7 =	simm.s32 @!p0 $0x5180;
	[tilespmem:$0x5180] =	vst @!p0 v0  }
0x39: {  	[spmem:s3] =	stream.linear.scatter @!p0 [tilespmem:s7], [sflag:$0x1], $0x80, $0x38;
	[tilespmem:$0x5218] =	vst v63  }
0x3a: {  	s7 =	simm.s32 @!p0 $0x1  }
.Ltmp2:
0x3b: {  	_ =	swait.ge @!p0 [sflag:s7], $0x80;
	(pc) =	sbr.rel .LBB2_4-.Ltmp2, $4  }
0x3c: {  	s8 =	simm.s32 $0x5180;
	v3 =	vimm.s32 $0x4;
	[sflag:s7] =	ssyncset.done @!p0 $0x0  }
0x3d: {  	s9 =	simm.s32 $0x1;
	v4 =	vlaneseq.u32;
	vm1 =	vcmask $0x3F04;
	s10 =	simm.s32 $0x5000;
	vm2 =	vcmask $0xB08;
	[sflag:s7] =	ssyncadd.s32 @!p0 $0xFFFFFF80  }
0x3e: {  	s11 =	simm.s32 $0x1000;
	vm3 =	vcmask $0xF0C;
	s12 =	simm.s32 $0x2000;
	vm4 =	vcmask $0x1310;
	v2 =	vimm.s32 $0x3;
	[bflag:$0x0] =	sbarrier.arrive $0xFFFF  }
0x3f: {  	s13 =	simm.s32 $0x5080;
	s14 =	simm.s32 $0x0;
	v1 =	vimm.s32 $0x2;
	vm0 =	vcmask $0x704;
	v0 =	vimm.s32 $0x1;
	s7 =	simm.s32 $0x0  }
.LBB2_7:
0x40: {  	v5 =	vmul.u32 $0x10, v4;
	_ =	sdelay $0x1  }
0x41: {  	[tilespmem:s13], [sflag:$0x1] =	stream.linear.gather [spmem:s4], $0x100, $0x38;
	[tilespmem:$0x5218] =	vst v63  }
0x42: {  	_ =	swait.ge [sflag:s9], $0x100  }
0x43: {  	[sflag:s9] =	ssyncset.done $0x0  }
0x44: {  	[sflag:s9] =	ssyncadd.s32 $0xFFFFFF00  }
0x45: {  	v5 =	vld.idx.msk [tilespmem:v5+s13+$0x0], $0xffff;
	_ =	sdelay $0x4  }
0x46: {  	v6 =	vxor.u32 $0x80000000, v5  }
0x47: {  	(xrf0) =	vmax.scan.msk.u32 $0xffff, v6;
	_ =	sdelay $0x5  }
0x48: {  	v6, _, _ =	vpop (xrf0)  }
0x49: {  	(v2sf) =	vpush v6, $0xF;
	_ =	sdelay $0xe  }
0x4a: {  	s15 =	spop (v2sf)  }
0x4b: {  	s15 =	sxor.u32 $0x80000000, s15  }
0x4c: {  	vm5 =	veq.s32 v5, s15;
	v5 =	vor.u32 $0x80000000, v4  }
0x4d: {  	v5 =	vnsel vm5, $0xFFFFFFFF, v5  }
0x4e: {  	(xrf0) =	vmin.scan.msk.u32 $0xffff, v5;
	_ =	sdelay $0x5  }
0x4f: {  	v5, _, _ =	vpop (xrf0)  }
0x50: {  	(v2sf) =	vpush v5, $0xF;
	_ =	sdelay $0xe  }
0x51: {  	s31 =	spop (v2sf)  }
0x52: {  	s15 =	sshll.u32 s31, $0x6  }
0x53: {  	s15 =	sshra.s32 s15, $0x2  }
0x54: {  	v5 =	vld [tilespmem:s15+$0x5080];
	_ =	sdelay $0x3  }
0x55: {  	s14 =	sadd.s32 $0x1, s14  }
0x56: {  	p1 =	seq.s32 s14, $0x1000;
	[tilespmem:$0x5180] =	vst v5  }
0x57: {  	[spmem:s3] =	stream.linear.scatter [tilespmem:s8], [sflag:$0x1], $0x80, $0x38;
	[tilespmem:$0x5218] =	vst v63  }
.Ltmp3:
0x58: {  	_ =	swait.ge [sflag:s9], $0x80;
	(pc) =	sbr.rel @p1 .LBB2_8-.Ltmp3, $3  }
0x59: {  	[sflag:s9] =	ssyncset.done $0x0  }
0x5a: {  	[sflag:s9] =	ssyncadd.s32 $0xFFFFFF80  }
0x5b: {  	[bflag:$0x0] =	sbarrier.arrive $0xFFFF;
	_ =	sdelay $0x1  }
.LBB2_4:
0x5c: {  	[tilespmem:s8], [sflag:$0x1] =	stream.linear.gather [spmem:s3], $0x80, $0x38;
	[tilespmem:$0x5218] =	vst v63  }
0x5d: {  	_ =	swait.ge [sflag:s9], $0x80  }
0x5e: {  	[sflag:s9] =	ssyncset.done $0x0  }
0x5f: {  	[sflag:s9] =	ssyncadd.s32 $0xFFFFFF80  }
0x60: {  	v9 =	vmov @!p0 s14;
	v8 =	vld.idx.msk [tilespmem:v0+s8+$0x0], $0xffff;
	_ =	sdelay $0x2  }
0x61: {  	v5 =	vld.idx.msk [tilespmem:v1+s8+$0x0], $0xffff  }
0x62: {  	s15 =	simm.s32 @!p0 $0x4000;
	v6 =	vld.idx.msk [tilespmem:v2+s8+$0x0], $0xffff  }
0x63: {  	s16 =	simm.s32 $0x2080;
	v7 =	vld.idx.msk [tilespmem:v3+s8+$0x0], $0xffff;
	[tilespmem:v9+s15+$0x0] =	vst.idx.msk @!p0 $0x1, v8  }
0x64: {  	v8 =	vld [tilespmem:s16+$0x60]  }
0x65: {  	s17 =	simm.s32 $0x80;
	v9 =	vld [tilespmem:s16+$0x40]  }
0x66: {  	s18 =	simm.s32 $0x1080;
	v10 =	vld [tilespmem:s17+$0x60]  }
0x67: {  	v11 =	vld [tilespmem:s18+$0x60]  }
0x68: {  	v13 =	vld [tilespmem:s16+$0x20]  }
0x69: {  	v16 =	vld [tilespmem:s17+$0x40]  }
0x6a: {  	v18 =	vld [tilespmem:s18+$0x40]  }
0x6b: {  	v21 =	vld [tilespmem:s16+$0x0]  }
0x6c: {  	v22 =	vld [tilespmem:s17+$0x20]  }
0x6d: {  	v23 =	vld [tilespmem:s18+$0x20]  }
0x6e: {  	v24 =	vld [tilespmem:s16+$0xFFFFFFE0]  }
0x6f: {  	v25 =	vld [tilespmem:s17+$0x0]  }
0x70: {  	v26 =	vld [tilespmem:s18+$0x0]  }
0x71: {  	v29 =	vld [tilespmem:s16+$0xFFFFFFC0]  }
0x72: {  	v31 =	vld [tilespmem:s17+$0xFFFFFFE0];
	v27 =	vsub.f32 v9, v7  }
0x73: {  	v33 =	vld [tilespmem:s18+$0xFFFFFFE0];
	v28 =	vsub.f32 v8, v7;
	v30 =	vsub.f32 v10, v5  }
0x74: {  	v34 =	vld [tilespmem:s16+$0xFFFFFFA0];
	v11 =	vsub.f32 v11, v6;
	v32 =	vsub.f32 v13, v7  }
0x75: {  	v35 =	vld [tilespmem:s17+$0xFFFFFFC0];
	v16 =	vsub.f32 v16, v5;
	v21 =	vsub.f32 v21, v7  }
0x76: {  	v12 =	vimm.f32 $-1.000000000e+00;
	s19 =	sadd.s32 $0xFFFFFF00, s5;
	v37 =	vld [tilespmem:s18+$0xFFFFFFC0];
	v18 =	vsub.f32 v18, v6;
	v22 =	vsub.f32 v22, v5  }
0x77: {  	s20 =	sadd.s32 $0x1E0, s19;
	v40 =	vld [tilespmem:s18+$0xFFFFFFA0];
	v13 =	vimm.s32 $0x0;
	v23 =	vsub.f32 v23, v6;
	v24 =	vsub.f32 v24, v7  }
0x78: {  	s29 =	sadd.s32 $0x1F0, s19;
	v41 =	vld [tilespmem:s17+$0xFFFFFF80];
	v8 =	vor.u32 s20, v4;
	v25 =	vsub.f32 v25, v5;
	v29 =	vsub.f32 v29, v7  }
0x79: {  	s21 =	sadd.s32 $0x1C0, s19;
	s15 =	simm.s32 $0x3080;
	v9 =	vor.u32 s29, v4;
	v26 =	vsub.f32 v26, v6;
	v31 =	vsub.f32 v31, v5  }
0x7a: {  	v14 =	vld [tilespmem:s15+$0x60];
	v10 =	vor.u32 s21, v4;
	v33 =	vsub.f32 v33, v6;
	v34 =	vsub.f32 v34, v7  }
0x7b: {  	v15 =	vld [tilespmem:s15+$0x40];
	v35 =	vsub.f32 v35, v5;
	v37 =	vsub.f32 v37, v6;
	v30 =	vmul.f32 v30, v30  }
0x7c: {  	v17 =	vld [tilespmem:s15+$0x20];
	v49 =	vsub.f32 v40, v6;
	v11 =	vmul.f32 v11, v11;
	v16 =	vmul.f32 v16, v16  }
0x7d: {  	v19 =	vld [tilespmem:s15+$0x0];
	v50 =	vsub.f32 v41, v5;
	v18 =	vmul.f32 v18, v18;
	v28 =	vmul.f32 v28, v28  }
0x7e: {  	v20 =	vld [tilespmem:s15+$0xFFFFFFE0];
	v22 =	vmul.f32 v22, v22;
	v23 =	vmul.f32 v23, v23;
	v11 =	vadd.f32 v11, v30  }
0x7f: {  	v25 =	vmul.f32 v25, v25;
	v30 =	vld [tilespmem:s16+$0xFFFFFF80];
	v16 =	vadd.f32 v18, v16;
	v18 =	vmul.f32 v27, v27  }
0x80: {  	v26 =	vmul.f32 v26, v26;
	v21 =	vmul.f32 v21, v21;
	v27 =	vld [tilespmem:s17+$0xFFFFFFA0];
	v28 =	vadd.f32 v28, v11  }
0x81: {  	v36 =	vld [tilespmem:s15+$0xFFFFFFC0];
	v24 =	vmul.f32 v24, v24;
	v35 =	vmul.f32 v35, v35;
	v16 =	vadd.f32 v18, v16  }
0x82: {  	v38 =	vld [tilespmem:s15+$0xFFFFFFA0];
	v25 =	vadd.f32 v26, v25;
	v26 =	vmul.f32 v31, v31;
	v14 =	vmin.f32 v14, v28  }
0x83: {  	v18 =	vadd.f32 v23, v22;
	v22 =	vmul.f32 v32, v32;
	v23 =	vld [tilespmem:s18+$0xFFFFFF80];
	v16 =	vmin.f32 v15, v16;
	[tilespmem:s15+$0x60] =	vst v14  }
0x84: {  	v31 =	vmul.f32 v33, v33;
	v21 =	vadd.f32 v21, v25;
	v28 =	vsub.f32 v30, v7;
	[tilespmem:s15+$0x40] =	vst v16;
	v30 =	vld [tilespmem:s16+$0x70]  }
0x85: {  	s30 =	sadd.s32 $0x1D0, s19;
	v37 =	vmul.f32 v37, v37;
	v18 =	vadd.f32 v22, v18;
	v22 =	vsub.f32 v27, v5;
	v27 =	vld [tilespmem:s16+$0x50]  }
0x86: {  	v54 =	vmul.f32 v50, v50;
	v11 =	vor.u32 s30, v4;
	v26 =	vadd.f32 v31, v26;
	s30 =	sadd.s32 $0x130, s19;
	v48 =	vld [tilespmem:s17+$0x70]  }
0x87: {  	s31 =	sadd.s32 $0x1A0, s19;
	v52 =	vadd.f32 v37, v35;
	v32 =	vor.u32 s30, v4;
	v19 =	vmin.f32 v19, v21;
	v25 =	vld [tilespmem:s18+$0x70]  }
0x88: {  	v15 =	vor.u32 s31, v4;
	v24 =	vadd.f32 v24, v26;
	[tilespmem:s15+$0x0] =	vst v19;
	v51 =	vld [tilespmem:s17+$0x50];
	v21 =	vsub.f32 v23, v6  }
0x89: {  	s21 =	sadd.s32 $0x1B0, s19;
	v26 =	vmul.f32 v49, v49;
	v18 =	vmin.f32 v17, v18;
	v53 =	vld [tilespmem:s16+$0x10];
	v22 =	vmul.f32 v22, v22  }
0x8a: {  	v17 =	vor.u32 s21, v4;
	v60 =	vld [tilespmem:s17+$0x10];
	v23 =	vmul.f32 v29, v29;
	v55 =	vmul.f32 v21, v21  }
0x8b: {  	v43 =	vld [tilespmem:s18+$0x10];
	v21 =	vmin.f32 v20, v24;
	v24 =	vadd.f32 v26, v22;
	v26 =	vmul.f32 v34, v34  }
0x8c: {  	s22 =	sadd.s32 $0x180, s19;
	v29 =	vld [tilespmem:s18+$0x50];
	v28 =	vmul.f32 v28, v28;
	v23 =	vadd.f32 v23, v52;
	v57 =	vadd.f32 v55, v54  }
0x8d: {  	s23 =	sadd.s32 $0x190, s19;
	v39 =	vld [tilespmem:s15+$0xFFFFFF80];
	[tilespmem:s15+$0x20] =	vst v18;
	v20 =	vor.u32 s22, v4;
	v59 =	vadd.f32 v26, v24;
	v44 =	vsub.f32 v30, v7  }
0x8e: {  	v31 =	vld [tilespmem:s16+$0x30];
	v22 =	vor.u32 s23, v4;
	v27 =	vsub.f32 v27, v7;
	v46 =	vsub.f32 v48, v5  }
0x8f: {  	s24 =	sadd.s32 $0x160, s19;
	v42 =	vld [tilespmem:s17+$0x30];
	v26 =	vmin.f32 v36, v23;
	v25 =	vsub.f32 v25, v6;
	v41 =	vsub.f32 v51, v5  }
0x90: {  	s25 =	sadd.s32 $0x170, s19;
	v56 =	vld [tilespmem:s18+$0x30];
	[tilespmem:s15+$0xFFFFFFE0] =	vst v21;
	v23 =	vor.u32 s24, v4;
	v35 =	vsub.f32 v53, v7;
	v36 =	vsub.f32 v60, v5  }
0x91: {  	s28 =	sadd.s32 $0x150, s19;
	v58 =	vld [tilespmem:s16+$0xFFFFFFF0];
	v24 =	vor.u32 s25, v4;
	v43 =	vsub.f32 v43, v6;
	v48 =	vsub.f32 v29, v6  }
0x92: {  	s26 =	sadd.s32 $0x140, s19;
	v61 =	vld [tilespmem:s17+$0xFFFFFFF0];
	v29 =	vor.u32 s28, v4;
	v33 =	vadd.f32 v28, v57;
	v30 =	vmin.f32 v38, v59  }
0x93: {  	v47 =	vld [tilespmem:s18+$0xFFFFFFF0];
	[tilespmem:s15+$0xFFFFFFC0] =	vst v26;
	v62 =	vsub.f32 v31, v7;
	v28 =	vor.u32 s26, v4;
	v44 =	vmul.f32 v44, v44  }
0x94: {  	v45 =	vld [tilespmem:s16+$0xFFFFFFD0];
	v42 =	vsub.f32 v42, v5;
	v46 =	vmul.f32 v46, v46;
	v25 =	vmul.f32 v25, v25  }
0x95: {  	s29 =	sadd.s32 $0x120, s19;
	v63 =	vld [tilespmem:s17+$0xFFFFFFD0];
	v34 =	vsub.f32 v56, v6;
	v41 =	vmul.f32 v41, v41;
	v35 =	vmul.f32 v35, v35  }
0x96: {  	v31 =	vor.u32 s29, v4;
	v50 =	vld [tilespmem:s18+$0xFFFFFFD0];
	v36 =	vmul.f32 v36, v36;
	v43 =	vmul.f32 v43, v43  }
0x97: {  	v57 =	vld [tilespmem:s15+$0x30];
	[tilespmem:s15+$0xFFFFFFA0] =	vst v30;
	v48 =	vmul.f32 v48, v48;
	v42 =	vmul.f32 v42, v42;
	v25 =	vadd.f32 v25, v46  }
0x98: {  	v49 =	vld [tilespmem:s16+$0xFFFFFFB0];
	v34 =	vmul.f32 v34, v34;
	v36 =	vadd.f32 v43, v36;
	v37 =	vsub.f32 v58, v7  }
0x99: {  	v33 =	vmin.f32 v39, v33;
	v52 =	vld [tilespmem:s17+$0xFFFFFFB0];
	v38 =	vsub.f32 v61, v5;
	v47 =	vsub.f32 v47, v6  }
0x9a: {  	v27 =	vmul.f32 v27, v27;
	v53 =	vld [tilespmem:s18+$0xFFFFFFB0];
	[tilespmem:s15+$0xFFFFFF80] =	vst v33;
	v41 =	vadd.f32 v48, v41;
	v34 =	vadd.f32 v34, v42  }
0x9b: {  	s31 =	sadd.s32 $0x100, s19;
	s19 =	sadd.s32 $0x110, s19;
	v40 =	vmul.f32 v62, v62;
	v54 =	vld [tilespmem:s17+$0xFFFFFF90];
	v25 =	vadd.f32 v44, v25;
	v36 =	vadd.f32 v35, v36  }
0x9c: {  	v55 =	vld [tilespmem:s18+$0xFFFFFF90];
	v42 =	vor.u32 s19, v4;
	v45 =	vsub.f32 v45, v7;
	v39 =	vsub.f32 v63, v5  }
0x9d: {  	v58 =	vld [tilespmem:s15+$0x10];
	v50 =	vsub.f32 v50, v6;
	v38 =	vmul.f32 v38, v38;
	v47 =	vmul.f32 v47, v47  }
0x9e: {  	v51 =	vld [tilespmem:s16+$0xFFFFFF90];
	v37 =	vmul.f32 v37, v37;
	v27 =	vadd.f32 v27, v41;
	v34 =	vadd.f32 v40, v34  }
0x9f: {  	v41 =	vor.u32 s31, v4;
	v49 =	vsub.f32 v49, v7;
	v52 =	vsub.f32 v52, v5  }
0xa0: {  	v56 =	vld [tilespmem:s15+$0x70];
	v53 =	vsub.f32 v53, v6;
	v39 =	vmul.f32 v39, v39;
	v38 =	vadd.f32 v47, v38  }
0xa1: {  	v61 =	vld [tilespmem:s15+$0x50];
	v50 =	vmul.f32 v50, v50;
	v54 =	vsub.f32 v54, v5;
	v55 =	vsub.f32 v55, v6  }
0xa2: {  	v35 =	vld [tilespmem:s15+$0xFFFFFFF0];
	v60 =	vmul.f32 v45, v45;
	v40 =	vmin.f32 v58, v36;
	v36 =	vmin.f32 v57, v34  }
0xa3: {  	v44 =	vld [tilespmem:s15+$0xFFFFFF90];
	v51 =	vsub.f32 v51, v7;
	v54 =	vmul.f32 v54, v54;
	v55 =	vmul.f32 v55, v55  }
0xa4: {  	v52 =	vmul.f32 v52, v52;
	v53 =	vmul.f32 v53, v53;
	v47 =	vadd.f32 v37, v38;
	v37 =	vld [tilespmem:s15+$0xFFFFFFD0]  }
0xa5: {  	v43 =	vld [tilespmem:s15+$0xFFFFFFB0];
	v39 =	vadd.f32 v50, v39;
	v63 =	vmul.f32 v51, v51;
	v59 =	vadd.f32 v55, v54  }
0xa6: {  	v34 =	vmin.f32 v61, v27;
	v62 =	vmul.f32 v49, v49;
	v52 =	vadd.f32 v53, v52  }
0xa7: {  	v46 =	vadd.f32 v60, v39;
	v39 =	vmin.f32 v56, v25;
	v48 =	vadd.f32 v63, v59  }
0xa8: {  	s20 =	simm.s32 $0x3180;
	s19 =	simm.s32 $0x0;
	v27 =	vimm.f32 $-1.000000000e+00;
	v25 =	vimm.s32 $0x0;
	[tilespmem:s15+$0x70] =	vst v39;
	v45 =	vadd.f32 v62, v52  }
.LBB2_5:
0xa9: {  	v38 =	vld [tilespmem:s20+$0x60];
	v44 =	vmin.f32 v44, v48;
	v46 =	vmin.f32 v37, v46;
	v47 =	vmin.f32 v35, v47;
	[tilespmem:s15+$0x10] =	vst v40  }
0xaa: {  	vm5 =	vgt.f32 v33, v12;
	v37 =	vld [tilespmem:s20+$0x40];
	[tilespmem:s15+$0xFFFFFF90] =	vst v44;
	vm6 =	vgt.f32 v44, v27;
	v43 =	vmin.f32 v43, v45  }
0xab: {  	v12 =	vsel vm5, v33, v12;
	v35 =	vld [tilespmem:s20+$0x20];
	v27 =	vsel vm6, v44, v27;
	v13 =	vsel vm6, v42, v13;
	[tilespmem:s15+$0xFFFFFFB0] =	vst v43  }
0xac: {  	s16 =	sadd.s32 $0x100, s16;
	v25 =	vsel vm5, v41, v25;
	vm5 =	vgt.f32 v30, v12;
	v33 =	vld [tilespmem:s20+$0x0];
	vm6 =	vgt.f32 v43, v27;
	[tilespmem:s15+$0xFFFFFFD0] =	vst v46  }
0xad: {  	v12 =	vsel vm5, v30, v12;
	v41 =	vld [tilespmem:s16+$0x60];
	v27 =	vsel vm6, v43, v27;
	v13 =	vsel vm6, v32, v13;
	[tilespmem:s15+$0xFFFFFFF0] =	vst v47  }
0xae: {  	v25 =	vsel vm5, v31, v25;
	vm5 =	vgt.f32 v26, v12;
	v30 =	vld [tilespmem:s20+$0xFFFFFFE0];
	vm6 =	vgt.f32 v46, v27;
	[tilespmem:s15+$0x30] =	vst v36  }
0xaf: {  	s17 =	sadd.s32 $0x100, s17;
	v12 =	vsel vm5, v26, v12;
	v31 =	vld [tilespmem:s16+$0x40];
	v26 =	vsel vm6, v46, v27;
	v13 =	vsel vm6, v29, v13;
	[tilespmem:s15+$0x50] =	vst v34;
	s15 =	smov.u32 s20  }
0xb0: {  	s18 =	sadd.s32 $0x100, s18;
	v25 =	vsel vm5, v28, v25;
	vm5 =	vgt.f32 v21, v12;
	v29 =	vld [tilespmem:s17+$0x60];
	vm6 =	vgt.f32 v47, v26  }
0xb1: {  	v12 =	vsel vm5, v21, v12;
	v28 =	vld [tilespmem:s18+$0x60];
	v21 =	vsel vm6, v47, v26;
	v13 =	vsel vm6, v24, v13  }
0xb2: {  	v23 =	vsel vm5, v23, v25;
	vm5 =	vgt.f32 v19, v12;
	v24 =	vld [tilespmem:s16+$0x20];
	vm6 =	vgt.f32 v40, v21  }
0xb3: {  	v12 =	vsel vm5, v19, v12;
	v26 =	vld [tilespmem:s17+$0x40];
	v19 =	vsel vm6, v40, v21;
	v13 =	vsel vm6, v22, v13  }
0xb4: {  	v20 =	vsel vm5, v20, v23;
	vm5 =	vgt.f32 v18, v12;
	v21 =	vld [tilespmem:s18+$0x40];
	vm6 =	vgt.f32 v36, v19  }
0xb5: {  	v12 =	vsel vm5, v18, v12;
	v22 =	vld [tilespmem:s16+$0x0];
	v18 =	vsel vm6, v36, v19;
	v13 =	vsel vm6, v17, v13  }
0xb6: {  	v15 =	vsel vm5, v15, v20;
	vm5 =	vgt.f32 v16, v12;
	v17 =	vld [tilespmem:s17+$0x20];
	vm6 =	vgt.f32 v34, v18  }
0xb7: {  	v12 =	vsel vm5, v16, v12;
	v19 =	vld [tilespmem:s18+$0x20];
	v16 =	vsel vm6, v34, v18;
	v11 =	vsel vm6, v11, v13  }
0xb8: {  	v10 =	vsel vm5, v10, v15;
	vm5 =	vgt.f32 v14, v12;
	v18 =	vld [tilespmem:s16+$0xFFFFFFE0];
	vm6 =	vgt.f32 v39, v16  }
0xb9: {  	v12 =	vsel vm5, v14, v12;
	v15 =	vld [tilespmem:s17+$0x0];
	v27 =	vsel vm6, v39, v16;
	v13 =	vsel vm6, v9, v11  }
0xba: {  	v14 =	vsub.f32 v31, v7;
	v25 =	vsel vm5, v8, v10;
	v16 =	vsub.f32 v41, v7;
	v11 =	vld [tilespmem:s18+$0x0]  }
0xbb: {  	s21 =	sadd.s32 s19, s5;
	v23 =	vsub.f32 v29, v5;
	v28 =	vsub.f32 v28, v6;
	v20 =	vld [tilespmem:s16+$0xFFFFFFC0]  }
0xbc: {  	s22 =	sadd.s32 $0x1E0, s21;
	v24 =	vsub.f32 v24, v7;
	v26 =	vsub.f32 v26, v5;
	v29 =	vld [tilespmem:s17+$0xFFFFFFE0]  }
0xbd: {  	v8 =	vor.u32 s22, v4;
	s22 =	sadd.s32 $0x1F0, s21;
	v21 =	vsub.f32 v21, v6;
	v22 =	vsub.f32 v22, v7;
	v31 =	vld [tilespmem:s18+$0xFFFFFFE0]  }
0xbe: {  	s23 =	sadd.s32 $0x1C0, s21;
	v9 =	vor.u32 s22, v4;
	v17 =	vsub.f32 v17, v5;
	v19 =	vsub.f32 v19, v6;
	v34 =	vld [tilespmem:s16+$0xFFFFFFA0]  }
0xbf: {  	v10 =	vor.u32 s23, v4;
	s22 =	sadd.s32 $0x1D0, s21;
	v39 =	vsub.f32 v18, v7;
	v18 =	vsub.f32 v15, v5;
	v36 =	vld [tilespmem:s17+$0xFFFFFFC0]  }
0xc0: {  	v40 =	vsub.f32 v20, v7;
	v41 =	vld [tilespmem:s20+$0xFFFFFFC0];
	v20 =	vsub.f32 v11, v6;
	v11 =	vor.u32 s22, v4  }
0xc1: {  	v23 =	vmul.f32 v23, v23;
	v28 =	vmul.f32 v28, v28;
	v15 =	vld [tilespmem:s18+$0xFFFFFFC0];
	v29 =	vsub.f32 v29, v5  }
0xc2: {  	v26 =	vmul.f32 v26, v26;
	v21 =	vmul.f32 v21, v21;
	v42 =	vld [tilespmem:s20+$0xFFFFFFA0];
	v31 =	vsub.f32 v31, v6  }
0xc3: {  	v23 =	vadd.f32 v28, v23;
	v16 =	vmul.f32 v16, v16;
	v32 =	vld [tilespmem:s20+$0xFFFFFF80];
	v34 =	vsub.f32 v34, v7  }
0xc4: {  	v14 =	vmul.f32 v14, v14;
	v21 =	vadd.f32 v21, v26;
	v28 =	vld [tilespmem:s16+$0xFFFFFF80];
	v36 =	vsub.f32 v36, v5  }
0xc5: {  	v17 =	vmul.f32 v17, v17;
	v16 =	vadd.f32 v16, v23;
	v19 =	vmul.f32 v19, v19;
	s22 =	sadd.s32 $0x1A0, s21;
	v26 =	vld [tilespmem:s17+$0xFFFFFFA0]  }
0xc6: {  	v21 =	vadd.f32 v14, v21;
	v23 =	vld [tilespmem:s18+$0xFFFFFFA0];
	v43 =	vsub.f32 v15, v6;
	v15 =	vor.u32 s22, v4  }
0xc7: {  	v14 =	vmin.f32 v38, v16;
	v17 =	vadd.f32 v19, v17;
	v19 =	vmul.f32 v24, v24;
	v44 =	vld [tilespmem:s17+$0xFFFFFF80]  }
0xc8: {  	v18 =	vmul.f32 v18, v18;
	v16 =	vmin.f32 v37, v21;
	v20 =	vmul.f32 v20, v20;
	s22 =	sadd.s32 $0x1B0, s21;
	v24 =	vld [tilespmem:s18+$0xFFFFFF80];
	[tilespmem:s20+$0x60] =	vst v14  }
0xc9: {  	v19 =	vadd.f32 v19, v17;
	v17 =	vor.u32 s22, v4;
	v28 =	vsub.f32 v28, v7;
	[tilespmem:s20+$0x40] =	vst v16;
	v37 =	vld [tilespmem:s16+$0x70]  }
0xca: {  	v22 =	vmul.f32 v22, v22;
	v20 =	vadd.f32 v20, v18;
	v21 =	vsub.f32 v26, v5;
	v38 =	vld [tilespmem:s16+$0x50]  }
0xcb: {  	v18 =	vmin.f32 v35, v19;
	s22 =	sadd.s32 $0x180, s21;
	v26 =	vmul.f32 v29, v29;
	v29 =	vmul.f32 v31, v31;
	v31 =	vld [tilespmem:s17+$0x70]  }
0xcc: {  	v19 =	vadd.f32 v22, v20;
	v20 =	vor.u32 s22, v4;
	v23 =	vsub.f32 v23, v6;
	[tilespmem:s20+$0x20] =	vst v18;
	v35 =	vld [tilespmem:s18+$0x70]  }
0xcd: {  	v22 =	vsub.f32 v44, v5;
	v26 =	vadd.f32 v29, v26;
	v29 =	vmul.f32 v39, v39;
	v39 =	vld [tilespmem:s16+$0x30]  }
0xce: {  	v36 =	vmul.f32 v36, v36;
	v43 =	vmul.f32 v43, v43;
	v19 =	vmin.f32 v33, v19;
	v33 =	vld [tilespmem:s17+$0x50]  }
0xcf: {  	v40 =	vmul.f32 v40, v40;
	v24 =	vsub.f32 v24, v6;
	v26 =	vadd.f32 v29, v26;
	[tilespmem:s20+$0x0] =	vst v19;
	v44 =	vld [tilespmem:s18+$0x50]  }
0xd0: {  	v36 =	vadd.f32 v43, v36;
	v23 =	vmul.f32 v23, v23;
	v29 =	vmul.f32 v21, v21;
	v43 =	vld [tilespmem:s16+$0x10]  }
0xd1: {  	v22 =	vmul.f32 v22, v22;
	v24 =	vmul.f32 v24, v24;
	v21 =	vmin.f32 v30, v26;
	v45 =	vld [tilespmem:s17+$0x30]  }
0xd2: {  	s22 =	sadd.s32 $0x190, s21;
	v23 =	vadd.f32 v23, v29;
	v26 =	vmul.f32 v34, v34;
	v29 =	vadd.f32 v40, v36;
	[tilespmem:s20+$0xFFFFFFE0] =	vst v21;
	v34 =	vld [tilespmem:s18+$0x30]  }
0xd3: {  	s19 =	sadd.s32 $0x100, s19;
	s23 =	sadd.s32 $0x160, s21;
	v28 =	vmul.f32 v28, v28;
	v24 =	vadd.f32 v24, v22;
	v22 =	vor.u32 s22, v4;
	v36 =	vld [tilespmem:s16+$0xFFFFFFF0]  }
0xd4: {  	p1 =	slt.u32 s19, $0xF00;
	s22 =	sadd.s32 $0x170, s21;
	v30 =	vadd.f32 v26, v23;
	v26 =	vmin.f32 v41, v29;
	v23 =	vor.u32 s23, v4;
	v40 =	vld [tilespmem:s17+$0x10]  }
0xd5: {  	v37 =	vsub.f32 v37, v7;
	s23 =	sadd.s32 $0x140, s21;
	v41 =	vadd.f32 v28, v24;
	v24 =	vor.u32 s22, v4;
	[tilespmem:s20+$0xFFFFFFC0] =	vst v26;
	v46 =	vld [tilespmem:s18+$0x10]  }
0xd6: {  	v38 =	vsub.f32 v38, v7;
	v48 =	vsub.f32 v31, v5;
	v28 =	vor.u32 s23, v4;
	v47 =	vld [tilespmem:s16+$0xFFFFFFD0]  }
0xd7: {  	v35 =	vsub.f32 v35, v6;
	v39 =	vsub.f32 v39, v7;
	s22 =	sadd.s32 $0x150, s21;
	v30 =	vmin.f32 v42, v30;
	v42 =	vld [tilespmem:s17+$0xFFFFFFF0]  }
0xd8: {  	s23 =	sadd.s32 $0x120, s21;
	v50 =	vsub.f32 v33, v5;
	v29 =	vor.u32 s22, v4;
	v44 =	vsub.f32 v44, v6;
	[tilespmem:s20+$0xFFFFFFA0] =	vst v30;
	v49 =	vld [tilespmem:s18+$0xFFFFFFF0]  }
0xd9: {  	v31 =	vor.u32 s23, v4;
	v43 =	vsub.f32 v43, v7;
	v45 =	vsub.f32 v45, v5;
	v51 =	vld [tilespmem:s16+$0xFFFFFFB0]  }
0xda: {  	s22 =	sadd.s32 $0x130, s21;
	v33 =	vmin.f32 v32, v41;
	v34 =	vsub.f32 v34, v6;
	v36 =	vsub.f32 v36, v7;
	v52 =	vld [tilespmem:s17+$0xFFFFFFD0]  }
0xdb: {  	s23 =	sadd.s32 $0x100, s21;
	v32 =	vor.u32 s22, v4;
	v40 =	vsub.f32 v40, v5;
	v46 =	vsub.f32 v46, v6;
	[tilespmem:s20+$0xFFFFFF80] =	vst v33;
	v53 =	vld [tilespmem:s18+$0xFFFFFFD0]  }
0xdc: {  	v41 =	vor.u32 s23, v4;
	v47 =	vsub.f32 v47, v7;
	v54 =	vld [tilespmem:s16+$0xFFFFFF90];
	v42 =	vsub.f32 v42, v5  }
0xdd: {  	v56 =	vmul.f32 v37, v37;
	v38 =	vmul.f32 v38, v38;
	v55 =	vld [tilespmem:s17+$0xFFFFFFB0];
	v49 =	vsub.f32 v49, v6  }
0xde: {  	v48 =	vmul.f32 v48, v48;
	v35 =	vmul.f32 v35, v35;
	v37 =	vld [tilespmem:s18+$0xFFFFFFB0];
	v51 =	vsub.f32 v51, v7  }
0xdf: {  	v39 =	vmul.f32 v39, v39;
	v50 =	vmul.f32 v50, v50;
	v57 =	vld [tilespmem:s17+$0xFFFFFF90];
	v52 =	vsub.f32 v52, v5  }
0xe0: {  	v59 =	vmul.f32 v43, v43;
	v43 =	vmul.f32 v44, v44;
	v58 =	vld [tilespmem:s18+$0xFFFFFF90];
	v53 =	vsub.f32 v53, v6  }
0xe1: {  	v44 =	vmul.f32 v45, v45;
	v34 =	vmul.f32 v34, v34;
	v54 =	vsub.f32 v54, v7  }
0xe2: {  	v40 =	vmul.f32 v40, v40;
	v46 =	vmul.f32 v46, v46;
	v45 =	vsub.f32 v55, v5  }
0xe3: {  	v42 =	vmul.f32 v42, v42;
	v49 =	vmul.f32 v49, v49;
	v37 =	vsub.f32 v37, v6  }
0xe4: {  	v52 =	vmul.f32 v52, v52;
	v53 =	vmul.f32 v53, v53;
	v55 =	vsub.f32 v57, v5;
	v57 =	vld [tilespmem:s20+$0x70]  }
0xe5: {  	v45 =	vmul.f32 v45, v45;
	v58 =	vsub.f32 v58, v6;
	v37 =	vmul.f32 v37, v37;
	v60 =	vld [tilespmem:s20+$0x50]  }
0xe6: {  	v48 =	vadd.f32 v35, v48;
	v43 =	vadd.f32 v43, v50;
	v55 =	vmul.f32 v55, v55;
	v61 =	vld [tilespmem:s20+$0x30]  }
0xe7: {  	v34 =	vadd.f32 v34, v44;
	v40 =	vadd.f32 v46, v40;
	v50 =	vmul.f32 v58, v58;
	v58 =	vld [tilespmem:s20+$0x10]  }
0xe8: {  	v36 =	vmul.f32 v36, v36;
	v49 =	vadd.f32 v49, v42;
	v46 =	vadd.f32 v53, v52;
	v35 =	vld [tilespmem:s20+$0xFFFFFFF0]  }
0xe9: {  	v47 =	vmul.f32 v47, v47;
	v45 =	vadd.f32 v37, v45;
	v50 =	vadd.f32 v50, v55;
	v37 =	vld [tilespmem:s20+$0xFFFFFFD0]  }
.Ltmp4:
0xea: {  	v38 =	vadd.f32 v38, v43;
	v51 =	vmul.f32 v51, v51;
	v52 =	vadd.f32 v56, v48;
	v44 =	vld [tilespmem:s20+$0xFFFFFF90];
	(pc) =	sbr.rel @p1 .LBB2_5-.Ltmp4, $4  }
0xeb: {  	s21 =	sadd.s32 $0x110, s21;
	v34 =	vadd.f32 v39, v34;
	v40 =	vadd.f32 v59, v40;
	v48 =	vmul.f32 v54, v54;
	v43 =	vld [tilespmem:s20+$0xFFFFFFB0]  }
0xec: {  	v42 =	vor.u32 s21, v4;
	v46 =	vadd.f32 v47, v46;
	v47 =	vadd.f32 v36, v49  }
0xed: {  	v45 =	vadd.f32 v51, v45;
	v39 =	vmin.f32 v57, v52;
	v48 =	vadd.f32 v48, v50  }
0xee: {  	v36 =	vmin.f32 v61, v34;
	v34 =	vmin.f32 v60, v38;
	s20 =	sadd.s32 $0x100, s20;
	v40 =	vmin.f32 v58, v40;
	[tilespmem:s15+$0x70] =	vst v39  }
0xef: {  	v5 =	vmin.f32 v44, v48  }
0xf0: {  	v6 =	vmin.f32 v37, v46;
	v7 =	vmin.f32 v35, v47;
	vm5 =	vgt.f32 v33, v12  }
0xf1: {  	vm6 =	vgt.f32 v5, v27;
	v53 =	vmin.f32 v43, v45;
	v12 =	vsel vm5, v33, v12  }
0xf2: {  	v27 =	vsel vm6, v5, v27;
	v13 =	vsel vm6, v42, v13;
	vm6 =	vgt.f32 v30, v12  }
0xf3: {  	v25 =	vsel vm5, v41, v25;
	vm5 =	vgt.f32 v53, v27;
	v12 =	vsel vm6, v30, v12  }
0xf4: {  	v27 =	vsel vm5, v53, v27;
	v13 =	vsel vm5, v32, v13;
	vm5 =	vgt.f32 v26, v12  }
0xf5: {  	v25 =	vsel vm6, v31, v25;
	vm6 =	vgt.f32 v6, v27;
	v12 =	vsel vm5, v26, v12  }
0xf6: {  	v54 =	vsel vm6, v6, v27;
	v13 =	vsel vm6, v29, v13;
	vm6 =	vgt.f32 v21, v12  }
0xf7: {  	v25 =	vsel vm5, v28, v25;
	vm5 =	vgt.f32 v7, v54;
	v12 =	vsel vm6, v21, v12  }
0xf8: {  	v55 =	vsel vm5, v7, v54;
	v13 =	vsel vm5, v24, v13;
	vm5 =	vgt.f32 v19, v12  }
0xf9: {  	v23 =	vsel vm6, v23, v25;
	vm6 =	vgt.f32 v40, v55;
	v12 =	vsel vm5, v19, v12  }
0xfa: {  	v56 =	vsel vm6, v40, v55;
	v13 =	vsel vm6, v22, v13;
	vm6 =	vgt.f32 v18, v12  }
0xfb: {  	v20 =	vsel vm5, v20, v23;
	vm5 =	vgt.f32 v36, v56;
	v12 =	vsel vm6, v18, v12  }
0xfc: {  	v57 =	vsel vm5, v36, v56;
	v13 =	vsel vm5, v17, v13;
	vm5 =	vgt.f32 v16, v12  }
0xfd: {  	v15 =	vsel vm6, v15, v20;
	vm6 =	vgt.f32 v34, v57;
	v12 =	vsel vm5, v16, v12  }
0xfe: {  	v58 =	vsel vm6, v34, v57;
	v11 =	vsel vm6, v11, v13;
	vm6 =	vgt.f32 v14, v12  }
0xff: {  	v10 =	vsel vm5, v10, v15;
	vm5 =	vgt.f32 v39, v58;
	v12 =	vsel vm6, v14, v12  }
0x100: {  	v8 =	vsel vm6, v8, v10;
	v59 =	vsel vm5, v39, v58;
	v9 =	vsel vm5, v9, v11  }
0x101: {  	vm5 =	veq.f32 v12, v59;
	vm6 =	vlt.s32 v8, v9  }
0x102: {  	vm7 =	vgt.f32 v12, v59;
	vm5 =	vmand vm5, vm6  }
0x103: {  	vm5 =	vmor vm7, vm5  }
0x104: {  	v60 =	vsel vm5, v12, v59  }
0x105: {  	(xrf0) =	vmax.scan.msk.f32 $0xffff, v60;
	_ =	sdelay $0x5  }
0x106: {  	v61, _, _ =	vpop (xrf0)  }
0x107: {  	v11 =	vbroadcast v61, $0xF;
	_ =	sdelay $0x1  }
0x108: {  	v8 =	vsel vm5, v8, v9;
	vm5 =	veq.f32 v60, v11  }
0x109: {  	v8 =	vnsel vm5, $0x7FFFFFFF, v8  }
0x10a: {  	v62 =	vxor.u32 $0x80000000, v8  }
0x10b: {  	(xrf0) =	vmin.scan.msk.u32 $0xffff, v62;
	_ =	sdelay $0x5  }
0x10c: {  	v9, _, _ =	vpop (xrf0)  }
0x10d: {  	(v2sf) =	vpush v9, $0xF;
	_ =	sdelay $0xe  }
0x10e: {  	s16 =	spop (v2sf)  }
0x10f: {  	s16 =	sxor.u32 $0x80000000, s16  }
0x110: {  	vm5 =	veq.s32 v8, s16  }
0x111: {  	v8 =	vnsel vm5, $0x0, v60  }
0x112: {  	(xrf0) =	vadd.scan.msk.s32 $0xffff, v8;
	_ =	sdelay $0x2  }
0x113: {  	[tilespmem:s15+$0x10] =	vst v40  }
0x114: {  	[tilespmem:s15+$0x30] =	vst v36  }
0x115: {  	[tilespmem:s15+$0xFFFFFF90] =	vst v5;
	s17 =	ssub.s32 s16, s5  }
0x116: {  	[tilespmem:s15+$0xFFFFFFD0] =	vst v6;
	v5 =	vmov s17;
	v6, _, _ =	vpop (xrf0)  }
0x117: {  	[tilespmem:s15+$0x50] =	vst v34;
	v63 =	vmov s16;
	v6 =	vbroadcast v6, $0xF  }
0x118: {  	[tilespmem:s15+$0xFFFFFFF0] =	vst v7;
	v7 =	vnsel vm0, $0x0, v63  }
0x119: {  	[tilespmem:s15+$0xFFFFFFB0] =	vst v53;
	v6 =	vsel vm1, v7, v6  }
0x11a: {  	[tilespmem:$0x5000] =	vst v6  }
0x11b: {  	v6 =	vld.idx.msk [tilespmem:v5+s7+$0x0], $0xffff;
	_ =	sdelay $0x4  }
0x11c: {  	[tilespmem:v4+s10+$0x0] =	vst.idx.msk vm2, v6  }
0x11d: {  	v6 =	vld.idx.msk [tilespmem:v5+s11+$0x0], $0xffff;
	_ =	sdelay $0x4  }
0x11e: {  	[tilespmem:v4+s10+$0x0] =	vst.idx.msk vm3, v6  }
0x11f: {  	v5 =	vld.idx.msk [tilespmem:v5+s12+$0x0], $0xffff;
	_ =	sdelay $0x4  }
0x120: {  	[tilespmem:v4+s10+$0x0] =	vst.idx.msk vm4, v5  }
0x121: {  	[spmem:s6] =	stream.linear.scatter [tilespmem:s10], [sflag:$0x1], $0x10, $0x38;
	[tilespmem:$0x5218] =	vst v63  }
.Ltmp5:
0x122: {  	_ =	swait.ge [sflag:s9], $0x10;
	(pc) =	sbr.rel @!p0 .LBB2_7-.Ltmp5, $3  }
0x123: {  	[sflag:s9] =	ssyncset.done $0x0  }
0x124: {  	[sflag:s9] =	ssyncadd.s32 $0xFFFFFFF0  }
0x125: {  	[bflag:$0x0] =	sbarrier.arrive $0xFFFF;
	_ =	sdelay $0x1  }
0x126: {  	s14 =	sadd.s32 $0x1, s14  }
0x127: {  	p1 =	seq.s32 s14, $0x1000  }
.Ltmp6:
0x128: {  	_ = 	snop;
	(pc) =	sbr.rel @!p1 .LBB2_4-.Ltmp6, $4  }
.Ltmp7:
0x129: {  	_ = 	snop;
	(pc) =	sbr.rel @p1 .LBB2_9-.Ltmp7, $4  }
0x12a: {  	_ = 	snop  }
0x12b: {  	[bflag:$0x0] =	sbarrier.arrive $0xFFFF  }
0x12c: {  	_ = 	snop  }
0x12d: {  	_ = 	snop  }
.LBB2_8:
0x12e: {  	s3 =	simm.s32 $0x0;
	s4 =	simm.s32 $0x4000;
	s31 =	simm.s32 $0x1  }
0x12f: {  	[hbm4b:s1+s3] =	stream.linear.scatter [tilespmem:s4], [sflag:$0x1], $0x1000, $0x38;
	[tilespmem:$0x5218] =	vst v63  }
0x130: {  	_ =	swait.ge [sflag:s31], $0x1000  }
0x131: {  	[sflag:s31] =	ssyncset.done $0x0  }
0x132: {  	[sflag:s31] =	ssyncadd.s32 $0xFFFFF000  }
.LBB2_9:
0x133: {  	_ =	sfence.sel $0x180000  }
0x134: {  	[bflag:$0x0] =	sbarrier.arrive $0xFFFF  }
0x135: {  	p0 =	sne.s32 s2, $0x0;
	_ =	strace $0x90000047  }
0x136: {  	s0 =	sadd.s32 @!p0 $0x100000, s0;
	[bflag:$0x2] =	sbarrier.arrive $0xFFFF  }
0x137: {  	[sflag:s0] =	ssyncadd.tile.s32 @!p0 $0x1;
	_ =	shalt  }
.Lfunc_end2:
_tile_overlayer_lowered:
.L_overlay_start_2:
0x138: {  	(tag) =	ssettag $0x2  }
0x139: {  	s0 =	rddreg [dreg:$0x0];
	s2 =	stileid.u32  }
0x13a: {  	s1 =	rddreg [dreg:$0x1];
	p0 =	sne.s32 s2, $0x0  }
0x13b: {  	s3 =	rddreg [dreg:$0x2];
	[bflag:$0x3] =	sbarrier.arrive $0xFFFF;
	s2 =	simm.s32 @!p0 $0x1C01  }
0x13c: {  	[timem:s3], [sflag:s2] =	dma.local @!p0 [hbm:s0], s1  }
0x13d: {  	s0 =	simm.s32 @!p0 $0x1  }
0x13e: {  	_ =	swait.ge @!p0 [sflag:s0], s1  }
0x13f: {  	s1 =	ssub.s32 @!p0 $0x0, s1;
	[sflag:s0] =	ssyncset.done @!p0 $0x0  }
0x140: {  	[sflag:s0] =	ssyncadd.s32 @!p0 s1  }
0x141: {  	[bflag:$0x3] =	sbarrier.arrive $0xFFFF  }
0x142: {  	_ =	shalt  }

</sc_bundles>
